<compile_context>
chip_gen: v7x
topology: tpu7x:2x2x1
jax: 0.10.2.dev20260603
libtpu: 0.0.44.dev20260713+nightly
codegen_flags: <defaults>
</compile_context>

<pallas_src>
import functools

import jax
import jax.numpy as jnp
from jax import lax
from jax.experimental import pallas as pl
from jax.experimental.pallas import tpu as pltpu
from jax.experimental.pallas import tpu_sc as plsc

B = 4096
T = 200
D = 64
NUM_CORES = 2
NUM_SUBCORES = 16
NW = NUM_CORES * NUM_SUBCORES
ROWS_PER_W = B // NW
TA = 104
TB = T - TA
NBUF = 6


def _emb_body(ids_hbm, tok_hbm, pos_hbm, out_hbm,
              idx_all, pos_sh, rows_a, rows_b, gsem, osem):
    sid = lax.axis_index("s")
    wid = sid * NUM_CORES + lax.axis_index("c")
    wbase = wid * (ROWS_PER_W * T)

    pltpu.sync_copy(ids_hbm.at[pl.ds(wbase, ROWS_PER_W * T)], idx_all)

    @pl.when(sid == 0)
    def _():
        pltpu.sync_copy(pos_hbm, pos_sh)

    plsc.subcore_barrier()

    def start_gather(p, j):
        off = j * T
        ra = rows_a.at[p]
        rb = rows_b.at[p]
        pltpu.sync_copy(pos_sh.at[pl.ds(0, TA)], ra)
        pltpu.sync_copy(pos_sh.at[pl.ds(TA, TB)], rb)
        pltpu.async_copy(tok_hbm.at[idx_all.at[pl.ds(off, TA)]], ra,
                         gsem.at[p], add=True)
        pltpu.async_copy(tok_hbm.at[idx_all.at[pl.ds(off + TA, TB)]], rb,
                         gsem.at[p], add=True)

    def wait_out(p):
        pltpu.make_async_copy(rows_a.at[p], out_hbm.at[pl.ds(0, TA)],
                              osem.at[p]).wait()
        pltpu.make_async_copy(rows_b.at[p], out_hbm.at[pl.ds(0, TB)],
                              osem.at[p]).wait()

    def finish_row(p, j):
        pltpu.make_async_copy(tok_hbm.at[idx_all.at[pl.ds(0, TA)]],
                              rows_a.at[p], gsem.at[p]).wait()
        pltpu.make_async_copy(tok_hbm.at[idx_all.at[pl.ds(0, TB)]],
                              rows_b.at[p], gsem.at[p]).wait()
        off = wbase + j * T
        pltpu.async_copy(rows_a.at[p], out_hbm.at[pl.ds(off, TA)], osem.at[p])
        pltpu.async_copy(rows_b.at[p], out_hbm.at[pl.ds(off + TA, TB)],
                         osem.at[p])

    start_gather(0, 0)

    def body(j, carry):
        p = lax.rem(j, NBUF)
        pn = lax.rem(j + 1, NBUF)

        @pl.when(j + 1 < ROWS_PER_W)
        def _():
            @pl.when(j >= NBUF - 1)
            def _():
                wait_out(pn)

            start_gather(pn, j + 1)

        finish_row(p, j)
        return carry

    lax.fori_loop(0, ROWS_PER_W, body, 0)

    for p in range(NBUF):
        wait_out(p)


@jax.jit
def _emb(ids_flat, token_emb, pos_emb):
    mesh = plsc.VectorSubcoreMesh(core_axis_name="c", subcore_axis_name="s")
    kern = functools.partial(
        pl.kernel,
        out_type=jax.ShapeDtypeStruct((B * T, D), jnp.float32),
        mesh=mesh,
        scratch_types=[
            pltpu.VMEM((ROWS_PER_W * T,), jnp.int32),
            pltpu.VMEM_SHARED((T, D), jnp.float32),
            pltpu.VMEM((NBUF, TA, D), jnp.float32),
            pltpu.VMEM((NBUF, TB, D), jnp.float32),
            pltpu.SemaphoreType.DMA((NBUF,)),
            pltpu.SemaphoreType.DMA((NBUF,)),
        ],
        compiler_params=pltpu.CompilerParams(use_tc_tiling_on_sc=False),
    )(_emb_body)
    return kern(ids_flat, token_emb, pos_emb)


def kernel(input_ids, token_emb, pos_emb):
    ids_flat = input_ids.astype(jnp.int32).reshape(B * T)
    out = _emb(ids_flat, token_emb, pos_emb)
    return out.reshape(B, T, D)

# --- scband reference (transcript-rebuilt; emitter-appended) ---
"""Pipeline reference for scband-embedding-19585050870345 (READ-ONLY COPY).

The authoritative reference and input builder live on the scoring server;
editing this copy changes nothing except your own understanding.
"""

import jax, jax.numpy as jnp
import numpy as np

VOCAB_SIZE = 1000000
HIDDEN_DIM = 64
SEQ_LEN = 200
BATCH = 4096

def setup_inputs(seed: int = 0) -> dict:
    key = jax.random.key(seed)
    k1, k2, k3 = jax.random.split(key, 3)
    input_ids = jax.random.randint(k1, (BATCH, SEQ_LEN), 0, VOCAB_SIZE, dtype=jnp.int64 if jax.config.jax_enable_x64 else jnp.int32)
    token_emb = jax.random.normal(k2, (VOCAB_SIZE, HIDDEN_DIM), dtype=jnp.float32) * 0.005
    pos_emb = jax.random.normal(k3, (SEQ_LEN, HIDDEN_DIM), dtype=jnp.float32)
    return {"input_ids": input_ids, "token_emb": token_emb, "pos_emb": pos_emb}

def reference(input_ids, token_emb, pos_emb):
    # x = token_emb(input_ids)
    x = jnp.take(token_emb, input_ids, axis=0)  # [B, T, D]
    # positions = arange(T); x = x + pos_emb(positions)
    T = input_ids.shape[1]
    positions = jnp.arange(T)
    x = x + jnp.take(pos_emb, positions, axis=0)[None, :, :]
    return x

if __name__ == "__main__":
    import jax
    _d = setup_inputs()
    print(jax.jit(kernel)(*tuple(_d.values())))

</pallas_src>

<mosaic_0001>
#map = affine_map<(d0, d1) -> (0)>
#map1 = affine_map<(d0, d1) -> (0, 0)>
module attributes {stable_mosaic.version = 14 : i64} {
  func.func @_emb_body(%arg0: i32, %arg1: i32, %arg2: memref<819200xi32, #tpu.memory_space<hbm>>, %arg3: memref<1000000x64xf32, #tpu.memory_space<hbm>>, %arg4: memref<200x64xf32, #tpu.memory_space<hbm>>, %arg5: memref<819200x64xf32, #tpu.memory_space<hbm>>, %arg6: memref<25600xi32, #tpu.memory_space<vmem>>, %arg7: memref<200x64xf32, #tpu.memory_space<vmem_shared>>, %arg8: memref<6x104x64xf32, #tpu.memory_space<vmem>>, %arg9: memref<6x96x64xf32, #tpu.memory_space<vmem>>, %arg10: memref<6x!tpu.dma_semaphore, #tpu.memory_space<semaphore_mem>>, %arg11: memref<6x!tpu.dma_semaphore, #tpu.memory_space<semaphore_mem>>) attributes {dimension_semantics = [#tpu.dimension_semantics<core_parallel>, #tpu.dimension_semantics<subcore_parallel>], iteration_bounds = array<i64: 2, 16>, scalar_prefetch = 0 : i64, scratch_operands = 6 : i64, tpu.core_type = #tpu.core_type<sc_vector_subcore>, window_params = [{transform_indices = #map}, {transform_indices = #map1}, {transform_indices = #map1}, {transform_indices = #map1}]} {
    %mul3A = arith.constant 2 : i32
    %mul3A_0 = arith.muli %arg1, %mul3A : i32
    %add3A = arith.addi %mul3A_0, %arg0 : i32
    %mul3A_1 = arith.constant 25600 : i32
    %mul3A_2 = arith.muli %add3A, %mul3A_1 : i32
    "tpu.region"() ({
      %run_scoped3A_251 = tpu.sem_alloc : memref<!tpu.dma_semaphore, #tpu.memory_space<semaphore_mem>>
      %dma_start3A_252 = tpu.memref_slice %arg2[%mul3A_2] : memref<819200xi32, #tpu.memory_space<hbm>> -> memref<25600xi32, #tpu.memory_space<hbm>>
      %dma_start3A_253 = tpu.memref_slice %arg2[%mul3A_2] : memref<819200xi32, #tpu.memory_space<hbm>> -> memref<25600xi32, #tpu.memory_space<hbm>>
      tpu.enqueue_dma source(%dma_start3A_253 : memref<25600xi32, #tpu.memory_space<hbm>>) target(%arg6 : memref<25600xi32, #tpu.memory_space<vmem>>) target_semaphore(%run_scoped3A_251 : memref<!tpu.dma_semaphore, #tpu.memory_space<semaphore_mem>>)
      %dma_wait3A_254 = tpu.memref_slice %arg2[%mul3A_2] : memref<819200xi32, #tpu.memory_space<hbm>> -> memref<25600xi32, #tpu.memory_space<hbm>>
      %dma_wait3A_255 = tpu.memref_slice %arg2[%mul3A_2] : memref<819200xi32, #tpu.memory_space<hbm>> -> memref<25600xi32, #tpu.memory_space<hbm>>
      tpu.wait_dma2 semaphore(%run_scoped3A_251 : memref<!tpu.dma_semaphore, #tpu.memory_space<semaphore_mem>>) src(%dma_wait3A_255 : memref<25600xi32, #tpu.memory_space<hbm>>) dst(%arg6 : memref<25600xi32, #tpu.memory_space<vmem>>)
      tpu.yield
    }) : () -> ()
    %eq3A = arith.constant 0 : i32
    %eq3A_3 = arith.cmpi eq, %arg1, %eq3A : i32
    %convert_element_type3A = arith.extui %eq3A_3 : i1 to i32
    %cond3A = arith.constant 0 : i32
    %cond3A_4 = arith.cmpi ne, %convert_element_type3A, %cond3A : i32
    scf.if %cond3A_4 {
      "tpu.region"() ({
        %run_scoped3A_251 = tpu.sem_alloc : memref<!tpu.dma_semaphore, #tpu.memory_space<semaphore_mem>>
        tpu.enqueue_dma source(%arg4 : memref<200x64xf32, #tpu.memory_space<hbm>>) target(%arg7 : memref<200x64xf32, #tpu.memory_space<vmem_shared>>) target_semaphore(%run_scoped3A_251 : memref<!tpu.dma_semaphore, #tpu.memory_space<semaphore_mem>>)
        tpu.wait_dma2 semaphore(%run_scoped3A_251 : memref<!tpu.dma_semaphore, #tpu.memory_space<semaphore_mem>>) src(%arg4 : memref<200x64xf32, #tpu.memory_space<hbm>>) dst(%arg7 : memref<200x64xf32, #tpu.memory_space<vmem_shared>>)
        tpu.yield
      }) : () -> ()
    } else {
    }
    %barrier3A = arith.constant 0 : index
    tpu.barrier barrier_id(%barrier3A)
    %run_scoped3A = arith.constant 0 : i32
    "tpu.region"() ({
      %run_scoped3A_251 = tpu.sem_alloc : memref<!tpu.dma_semaphore, #tpu.memory_space<semaphore_mem>>
      %dma_start3A_252 = arith.constant 0 : i32
      %dma_start3A_253 = arith.constant 0 : i32
      %dma_start3A_254 = tpu.memref_slice %arg8[%run_scoped3A, %dma_start3A_252, %dma_start3A_253] : memref<6x104x64xf32, #tpu.memory_space<vmem>> -> memref<1x104x64xf32, #tpu.memory_space<vmem>>
      %dma_start3A_255 = tpu.memref_squeeze %dma_start3A_254 : memref<1x104x64xf32, #tpu.memory_space<vmem>> -> memref<104x64xf32, #tpu.memory_space<vmem>>
      %dma_start3A_256 = arith.constant 0 : i32
      %dma_start3A_257 = arith.constant 0 : i32
      %dma_start3A_258 = tpu.memref_slice %arg7[%dma_start3A_256, %dma_start3A_257] : memref<200x64xf32, #tpu.memory_space<vmem_shared>> -> memref<104x64xf32, #tpu.memory_space<vmem_shared>>
      %dma_start3A_259 = arith.constant 0 : i32
      %dma_start3A_260 = arith.constant 0 : i32
      %dma_start3A_261 = tpu.memref_slice %arg8[%run_scoped3A, %dma_start3A_259, %dma_start3A_260] : memref<6x104x64xf32, #tpu.memory_space<vmem>> -> memref<1x104x64xf32, #tpu.memory_space<vmem>>
      %dma_start3A_262 = tpu.memref_squeeze %dma_start3A_261 : memref<1x104x64xf32, #tpu.memory_space<vmem>> -> memref<104x64xf32, #tpu.memory_space<vmem>>
      %dma_start3A_263 = arith.constant 0 : i32
      %dma_start3A_264 = arith.constant 0 : i32
      %dma_start3A_265 = tpu.memref_slice %arg7[%dma_start3A_263, %dma_start3A_264] : memref<200x64xf32, #tpu.memory_space<vmem_shared>> -> memref<104x64xf32, #tpu.memory_space<vmem_shared>>
      tpu.enqueue_dma source(%dma_start3A_265 : memref<104x64xf32, #tpu.memory_space<vmem_shared>>) target(%dma_start3A_262 : memref<104x64xf32, #tpu.memory_space<vmem>>) target_semaphore(%run_scoped3A_251 : memref<!tpu.dma_semaphore, #tpu.memory_space<semaphore_mem>>)
      %dma_wait3A_266 = arith.constant 0 : i32
      %dma_wait3A_267 = arith.constant 0 : i32
      %dma_wait3A_268 = tpu.memref_slice %arg8[%run_scoped3A, %dma_wait3A_266, %dma_wait3A_267] : memref<6x104x64xf32, #tpu.memory_space<vmem>> -> memref<1x104x64xf32, #tpu.memory_space<vmem>>
      %dma_wait3A_269 = tpu.memref_squeeze %dma_wait3A_268 : memref<1x104x64xf32, #tpu.memory_space<vmem>> -> memref<104x64xf32, #tpu.memory_space<vmem>>
      %dma_wait3A_270 = arith.constant 0 : i32
      %dma_wait3A_271 = arith.constant 0 : i32
      %dma_wait3A_272 = tpu.memref_slice %arg7[%dma_wait3A_270, %dma_wait3A_271] : memref<200x64xf32, #tpu.memory_space<vmem_shared>> -> memref<104x64xf32, #tpu.memory_space<vmem_shared>>
      %dma_wait3A_273 = arith.constant 0 : i32
      %dma_wait3A_274 = arith.constant 0 : i32
      %dma_wait3A_275 = tpu.memref_slice %arg8[%run_scoped3A, %dma_wait3A_273, %dma_wait3A_274] : memref<6x104x64xf32, #tpu.memory_space<vmem>> -> memref<1x104x64xf32, #tpu.memory_space<vmem>>
      %dma_wait3A_276 = tpu.memref_squeeze %dma_wait3A_275 : memref<1x104x64xf32, #tpu.memory_space<vmem>> -> memref<104x64xf32, #tpu.memory_space<vmem>>
      %dma_wait3A_277 = arith.constant 0 : i32
      %dma_wait3A_278 = arith.constant 0 : i32
      %dma_wait3A_279 = tpu.memref_slice %arg7[%dma_wait3A_277, %dma_wait3A_278] : memref<200x64xf32, #tpu.memory_space<vmem_shared>> -> memref<104x64xf32, #tpu.memory_space<vmem_shared>>
      tpu.wait_dma2 semaphore(%run_scoped3A_251 : memref<!tpu.dma_semaphore, #tpu.memory_space<semaphore_mem>>) src(%dma_wait3A_279 : memref<104x64xf32, #tpu.memory_space<vmem_shared>>) dst(%dma_wait3A_276 : memref<104x64xf32, #tpu.memory_space<vmem>>)
      tpu.yield
    }) : () -> ()
    %run_scoped3A_5 = arith.constant 0 : i32
    "tpu.region"() ({
      %run_scoped3A_251 = tpu.sem_alloc : memref<!tpu.dma_semaphore, #tpu.memory_space<semaphore_mem>>
      %dma_start3A_252 = arith.constant 0 : i32
      %dma_start3A_253 = arith.constant 0 : i32
      %dma_start3A_254 = tpu.memref_slice %arg9[%run_scoped3A_5, %dma_start3A_252, %dma_start3A_253] : memref<6x96x64xf32, #tpu.memory_space<vmem>> -> memref<1x96x64xf32, #tpu.memory_space<vmem>>
      %dma_start3A_255 = tpu.memref_squeeze %dma_start3A_254 : memref<1x96x64xf32, #tpu.memory_space<vmem>> -> memref<96x64xf32, #tpu.memory_space<vmem>>
      %dma_start3A_256 = arith.constant 104 : i32
      %dma_start3A_257 = arith.constant 0 : i32
      %dma_start3A_258 = tpu.memref_slice %arg7[%dma_start3A_256, %dma_start3A_257] : memref<200x64xf32, #tpu.memory_space<vmem_shared>> -> memref<96x64xf32, #tpu.memory_space<vmem_shared>>
      %dma_start3A_259 = arith.constant 0 : i32
      %dma_start3A_260 = arith.constant 0 : i32
      %dma_start3A_261 = tpu.memref_slice %arg9[%run_scoped3A_5, %dma_start3A_259, %dma_start3A_260] : memref<6x96x64xf32, #tpu.memory_space<vmem>> -> memref<1x96x64xf32, #tpu.memory_space<vmem>>
      %dma_start3A_262 = tpu.memref_squeeze %dma_start3A_261 : memref<1x96x64xf32, #tpu.memory_space<vmem>> -> memref<96x64xf32, #tpu.memory_space<vmem>>
      %dma_start3A_263 = arith.constant 104 : i32
      %dma_start3A_264 = arith.constant 0 : i32
      %dma_start3A_265 = tpu.memref_slice %arg7[%dma_start3A_263, %dma_start3A_264] : memref<200x64xf32, #tpu.memory_space<vmem_shared>> -> memref<96x64xf32, #tpu.memory_space<vmem_shared>>
      tpu.enqueue_dma source(%dma_start3A_265 : memref<96x64xf32, #tpu.memory_space<vmem_shared>>) target(%dma_start3A_262 : memref<96x64xf32, #tpu.memory_space<vmem>>) target_semaphore(%run_scoped3A_251 : memref<!tpu.dma_semaphore, #tpu.memory_space<semaphore_mem>>)
      %dma_wait3A_266 = arith.constant 0 : i32
      %dma_wait3A_267 = arith.constant 0 : i32
      %dma_wait3A_268 = tpu.memref_slice %arg9[%run_scoped3A_5, %dma_wait3A_266, %dma_wait3A_267] : memref<6x96x64xf32, #tpu.memory_space<vmem>> -> memref<1x96x64xf32, #tpu.memory_space<vmem>>
      %dma_wait3A_269 = tpu.memref_squeeze %dma_wait3A_268 : memref<1x96x64xf32, #tpu.memory_space<vmem>> -> memref<96x64xf32, #tpu.memory_space<vmem>>
      %dma_wait3A_270 = arith.constant 104 : i32
      %dma_wait3A_271 = arith.constant 0 : i32
      %dma_wait3A_272 = tpu.memref_slice %arg7[%dma_wait3A_270, %dma_wait3A_271] : memref<200x64xf32, #tpu.memory_space<vmem_shared>> -> memref<96x64xf32, #tpu.memory_space<vmem_shared>>
      %dma_wait3A_273 = arith.constant 0 : i32
      %dma_wait3A_274 = arith.constant 0 : i32
      %dma_wait3A_275 = tpu.memref_slice %arg9[%run_scoped3A_5, %dma_wait3A_273, %dma_wait3A_274] : memref<6x96x64xf32, #tpu.memory_space<vmem>> -> memref<1x96x64xf32, #tpu.memory_space<vmem>>
      %dma_wait3A_276 = tpu.memref_squeeze %dma_wait3A_275 : memref<1x96x64xf32, #tpu.memory_space<vmem>> -> memref<96x64xf32, #tpu.memory_space<vmem>>
      %dma_wait3A_277 = arith.constant 104 : i32
      %dma_wait3A_278 = arith.constant 0 : i32
      %dma_wait3A_279 = tpu.memref_slice %arg7[%dma_wait3A_277, %dma_wait3A_278] : memref<200x64xf32, #tpu.memory_space<vmem_shared>> -> memref<96x64xf32, #tpu.memory_space<vmem_shared>>
      tpu.wait_dma2 semaphore(%run_scoped3A_251 : memref<!tpu.dma_semaphore, #tpu.memory_space<semaphore_mem>>) src(%dma_wait3A_279 : memref<96x64xf32, #tpu.memory_space<vmem_shared>>) dst(%dma_wait3A_276 : memref<96x64xf32, #tpu.memory_space<vmem>>)
      tpu.yield
    }) : () -> ()
    %dma_start3A = arith.constant 0 : i32
    %dma_start3A_6 = arith.constant 0 : i32
    %dma_start3A_7 = arith.constant 0 : i32
    %dma_start3A_8 = arith.constant 0 : i32
    %dma_start3A_9 = tpu.memref_slice %arg8[%dma_start3A, %dma_start3A_7, %dma_start3A_8] : memref<6x104x64xf32, #tpu.memory_space<vmem>> -> memref<1x104x64xf32, #tpu.memory_space<vmem>>
    %dma_start3A_10 = tpu.memref_squeeze %dma_start3A_9 : memref<1x104x64xf32, #tpu.memory_space<vmem>> -> memref<104x64xf32, #tpu.memory_space<vmem>>
    %dma_start3A_11 = arith.constant 0 : i32
    %dma_start3A_12 = tpu.memref_slice %arg6[%dma_start3A_11] : memref<25600xi32, #tpu.memory_space<vmem>> -> memref<104xi32, #tpu.memory_space<vmem>>
    %dma_start3A_13 = arith.constant 0 : i32
    %dma_start3A_14 = arith.constant 0 : i32
    %dma_start3A_15 = tpu.memref_slice %arg3[%dma_start3A_13, %dma_start3A_14] : memref<1000000x64xf32, #tpu.memory_space<hbm>> -> memref<1000000x64xf32, #tpu.memory_space<hbm>>
    %dma_start3A_16 = tpu.memref_slice %arg10[%dma_start3A_6] : memref<6x!tpu.dma_semaphore, #tpu.memory_space<semaphore_mem>> -> memref<1x!tpu.dma_semaphore, #tpu.memory_space<semaphore_mem>>
    %dma_start3A_17 = tpu.memref_squeeze %dma_start3A_16 : memref<1x!tpu.dma_semaphore, #tpu.memory_space<semaphore_mem>> -> memref<!tpu.dma_semaphore, #tpu.memory_space<semaphore_mem>>
    tpu.enqueue_indirect_dma source(%dma_start3A_15 : memref<1000000x64xf32, #tpu.memory_space<hbm>>) target(%dma_start3A_10 : memref<104x64xf32, #tpu.memory_space<vmem>>) offsets(%dma_start3A_12 : memref<104xi32, #tpu.memory_space<vmem>>) semaphore(%dma_start3A_17 : memref<!tpu.dma_semaphore, #tpu.memory_space<semaphore_mem>>) {add = true}
    %dma_start3A_18 = arith.constant 0 : i32
    %dma_start3A_19 = arith.constant 0 : i32
    %dma_start3A_20 = arith.constant 0 : i32
    %dma_start3A_21 = arith.constant 0 : i32
    %dma_start3A_22 = tpu.memref_slice %arg9[%dma_start3A_18, %dma_start3A_20, %dma_start3A_21] : memref<6x96x64xf32, #tpu.memory_space<vmem>> -> memref<1x96x64xf32, #tpu.memory_space<vmem>>
    %dma_start3A_23 = tpu.memref_squeeze %dma_start3A_22 : memref<1x96x64xf32, #tpu.memory_space<vmem>> -> memref<96x64xf32, #tpu.memory_space<vmem>>
    %dma_start3A_24 = arith.constant 104 : i32
    %dma_start3A_25 = tpu.memref_slice %arg6[%dma_start3A_24] : memref<25600xi32, #tpu.memory_space<vmem>> -> memref<96xi32, #tpu.memory_space<vmem>>
    %dma_start3A_26 = arith.constant 0 : i32
    %dma_start3A_27 = arith.constant 0 : i32
    %dma_start3A_28 = tpu.memref_slice %arg3[%dma_start3A_26, %dma_start3A_27] : memref<1000000x64xf32, #tpu.memory_space<hbm>> -> memref<1000000x64xf32, #tpu.memory_space<hbm>>
    %dma_start3A_29 = tpu.memref_slice %arg10[%dma_start3A_19] : memref<6x!tpu.dma_semaphore, #tpu.memory_space<semaphore_mem>> -> memref<1x!tpu.dma_semaphore, #tpu.memory_space<semaphore_mem>>
    %dma_start3A_30 = tpu.memref_squeeze %dma_start3A_29 : memref<1x!tpu.dma_semaphore, #tpu.memory_space<semaphore_mem>> -> memref<!tpu.dma_semaphore, #tpu.memory_space<semaphore_mem>>
    tpu.enqueue_indirect_dma source(%dma_start3A_28 : memref<1000000x64xf32, #tpu.memory_space<hbm>>) target(%dma_start3A_23 : memref<96x64xf32, #tpu.memory_space<vmem>>) offsets(%dma_start3A_25 : memref<96xi32, #tpu.memory_space<vmem>>) semaphore(%dma_start3A_30 : memref<!tpu.dma_semaphore, #tpu.memory_space<semaphore_mem>>) {add = true}
    %scan3A = arith.constant 0 : i32
    %scan3A_31 = arith.constant 0 : i32
    %scan3A_32 = arith.constant 128 : i32
    %scan3A_33 = arith.addi %scan3A_31, %scan3A_32 : i32
    %scan3A_34 = arith.constant 1 : i32
    scf.for %scan3A_251 = %scan3A_31 to %scan3A_33 step %scan3A_34  : i32 {
      %rem3A = arith.constant 6 : i32
      %rem3A_252 = arith.remsi %scan3A_251, %rem3A : i32
      %add3A_253 = arith.constant 1 : i32
      %add3A_254 = arith.addi %scan3A_251, %add3A_253 : i32
      %rem3A_255 = arith.constant 6 : i32
      %rem3A_256 = arith.remsi %add3A_254, %rem3A_255 : i32
      %add3A_257 = arith.constant 1 : i32
      %add3A_258 = arith.addi %scan3A_251, %add3A_257 : i32
      %lt3A = arith.constant 128 : i32
      %lt3A_259 = arith.cmpi slt, %add3A_258, %lt3A : i32
      %convert_element_type3A_260 = arith.extui %lt3A_259 : i1 to i32
      %cond3A_261 = arith.constant 0 : i32
      %cond3A_262 = arith.cmpi ne, %convert_element_type3A_260, %cond3A_261 : i32
      scf.if %cond3A_262 {
        %ge3A = arith.constant 5 : i32
        %ge3A_318 = arith.cmpi sge, %scan3A_251, %ge3A : i32
        %convert_element_type3A_319 = arith.extui %ge3A_318 : i1 to i32
        %cond3A_320 = arith.constant 0 : i32
        %cond3A_321 = arith.cmpi ne, %convert_element_type3A_319, %cond3A_320 : i32
        scf.if %cond3A_321 {
          %dma_wait3A_348 = arith.constant 0 : i32
          %dma_wait3A_349 = arith.constant 0 : i32
          %dma_wait3A_350 = tpu.memref_slice %arg8[%rem3A_256, %dma_wait3A_348, %dma_wait3A_349] : memref<6x104x64xf32, #tpu.memory_space<vmem>> -> memref<1x104x64xf32, #tpu.memory_space<vmem>>
          %dma_wait3A_351 = tpu.memref_squeeze %dma_wait3A_350 : memref<1x104x64xf32, #tpu.memory_space<vmem>> -> memref<104x64xf32, #tpu.memory_space<vmem>>
          %dma_wait3A_352 = arith.constant 0 : i32
          %dma_wait3A_353 = arith.constant 0 : i32
          %dma_wait3A_354 = tpu.memref_slice %arg5[%dma_wait3A_352, %dma_wait3A_353] : memref<819200x64xf32, #tpu.memory_space<hbm>> -> memref<104x64xf32, #tpu.memory_space<hbm>>
          %dma_wait3A_355 = tpu.memref_slice %arg11[%rem3A_256] : memref<6x!tpu.dma_semaphore, #tpu.memory_space<semaphore_mem>> -> memref<1x!tpu.dma_semaphore, #tpu.memory_space<semaphore_mem>>
          %dma_wait3A_356 = tpu.memref_squeeze %dma_wait3A_355 : memref<1x!tpu.dma_semaphore, #tpu.memory_space<semaphore_mem>> -> memref<!tpu.dma_semaphore, #tpu.memory_space<semaphore_mem>>
          %dma_wait3A_357 = arith.constant 0 : i32
          %dma_wait3A_358 = arith.constant 0 : i32
          %dma_wait3A_359 = tpu.memref_slice %arg5[%dma_wait3A_357, %dma_wait3A_358] : memref<819200x64xf32, #tpu.memory_space<hbm>> -> memref<104x64xf32, #tpu.memory_space<hbm>>
          %dma_wait3A_360 = arith.constant 0 : i32
          %dma_wait3A_361 = arith.constant 0 : i32
          %dma_wait3A_362 = tpu.memref_slice %arg8[%rem3A_256, %dma_wait3A_360, %dma_wait3A_361] : memref<6x104x64xf32, #tpu.memory_space<vmem>> -> memref<1x104x64xf32, #tpu.memory_space<vmem>>
          %dma_wait3A_363 = tpu.memref_squeeze %dma_wait3A_362 : memref<1x104x64xf32, #tpu.memory_space<vmem>> -> memref<104x64xf32, #tpu.memory_space<vmem>>
          tpu.wait_dma2 semaphore(%dma_wait3A_356 : memref<!tpu.dma_semaphore, #tpu.memory_space<semaphore_mem>>) src(%dma_wait3A_363 : memref<104x64xf32, #tpu.memory_space<vmem>>) dst(%dma_wait3A_359 : memref<104x64xf32, #tpu.memory_space<hbm>>)
          %dma_wait3A_364 = arith.constant 0 : i32
          %dma_wait3A_365 = arith.constant 0 : i32
          %dma_wait3A_366 = tpu.memref_slice %arg9[%rem3A_256, %dma_wait3A_364, %dma_wait3A_365] : memref<6x96x64xf32, #tpu.memory_space<vmem>> -> memref<1x96x64xf32, #tpu.memory_space<vmem>>
          %dma_wait3A_367 = tpu.memref_squeeze %dma_wait3A_366 : memref<1x96x64xf32, #tpu.memory_space<vmem>> -> memref<96x64xf32, #tpu.memory_space<vmem>>
          %dma_wait3A_368 = arith.constant 0 : i32
          %dma_wait3A_369 = arith.constant 0 : i32
          %dma_wait3A_370 = tpu.memref_slice %arg5[%dma_wait3A_368, %dma_wait3A_369] : memref<819200x64xf32, #tpu.memory_space<hbm>> -> memref<96x64xf32, #tpu.memory_space<hbm>>
          %dma_wait3A_371 = tpu.memref_slice %arg11[%rem3A_256] : memref<6x!tpu.dma_semaphore, #tpu.memory_space<semaphore_mem>> -> memref<1x!tpu.dma_semaphore, #tpu.memory_space<semaphore_mem>>
          %dma_wait3A_372 = tpu.memref_squeeze %dma_wait3A_371 : memref<1x!tpu.dma_semaphore, #tpu.memory_space<semaphore_mem>> -> memref<!tpu.dma_semaphore, #tpu.memory_space<semaphore_mem>>
          %dma_wait3A_373 = arith.constant 0 : i32
          %dma_wait3A_374 = arith.constant 0 : i32
          %dma_wait3A_375 = tpu.memref_slice %arg5[%dma_wait3A_373, %dma_wait3A_374] : memref<819200x64xf32, #tpu.memory_space<hbm>> -> memref<96x64xf32, #tpu.memory_space<hbm>>
          %dma_wait3A_376 = arith.constant 0 : i32
          %dma_wait3A_377 = arith.constant 0 : i32
          %dma_wait3A_378 = tpu.memref_slice %arg9[%rem3A_256, %dma_wait3A_376, %dma_wait3A_377] : memref<6x96x64xf32, #tpu.memory_space<vmem>> -> memref<1x96x64xf32, #tpu.memory_space<vmem>>
          %dma_wait3A_379 = tpu.memref_squeeze %dma_wait3A_378 : memref<1x96x64xf32, #tpu.memory_space<vmem>> -> memref<96x64xf32, #tpu.memory_space<vmem>>
          tpu.wait_dma2 semaphore(%dma_wait3A_372 : memref<!tpu.dma_semaphore, #tpu.memory_space<semaphore_mem>>) src(%dma_wait3A_379 : memref<96x64xf32, #tpu.memory_space<vmem>>) dst(%dma_wait3A_375 : memref<96x64xf32, #tpu.memory_space<hbm>>)
        } else {
        }
        %add3A_322 = arith.constant 1 : i32
        %add3A_323 = arith.addi %scan3A_251, %add3A_322 : i32
        %mul3A_324 = arith.constant 200 : i32
        %mul3A_325 = arith.muli %add3A_323, %mul3A_324 : i32
        "tpu.region"() ({
          %run_scoped3A_348 = tpu.sem_alloc : memref<!tpu.dma_semaphore, #tpu.memory_space<semaphore_mem>>
          %dma_start3A_349 = arith.constant 0 : i32
          %dma_start3A_350 = arith.constant 0 : i32
          %dma_start3A_351 = tpu.memref_slice %arg8[%rem3A_256, %dma_start3A_349, %dma_start3A_350] : memref<6x104x64xf32, #tpu.memory_space<vmem>> -> memref<1x104x64xf32, #tpu.memory_space<vmem>>
          %dma_start3A_352 = tpu.memref_squeeze %dma_start3A_351 : memref<1x104x64xf32, #tpu.memory_space<vmem>> -> memref<104x64xf32, #tpu.memory_space<vmem>>
          %dma_start3A_353 = arith.constant 0 : i32
          %dma_start3A_354 = arith.constant 0 : i32
          %dma_start3A_355 = tpu.memref_slice %arg7[%dma_start3A_353, %dma_start3A_354] : memref<200x64xf32, #tpu.memory_space<vmem_shared>> -> memref<104x64xf32, #tpu.memory_space<vmem_shared>>
          %dma_start3A_356 = arith.constant 0 : i32
          %dma_start3A_357 = arith.constant 0 : i32
          %dma_start3A_358 = tpu.memref_slice %arg8[%rem3A_256, %dma_start3A_356, %dma_start3A_357] : memref<6x104x64xf32, #tpu.memory_space<vmem>> -> memref<1x104x64xf32, #tpu.memory_space<vmem>>
          %dma_start3A_359 = tpu.memref_squeeze %dma_start3A_358 : memref<1x104x64xf32, #tpu.memory_space<vmem>> -> memref<104x64xf32, #tpu.memory_space<vmem>>
          %dma_start3A_360 = arith.constant 0 : i32
          %dma_start3A_361 = arith.constant 0 : i32
          %dma_start3A_362 = tpu.memref_slice %arg7[%dma_start3A_360, %dma_start3A_361] : memref<200x64xf32, #tpu.memory_space<vmem_shared>> -> memref<104x64xf32, #tpu.memory_space<vmem_shared>>
          tpu.enqueue_dma source(%dma_start3A_362 : memref<104x64xf32, #tpu.memory_space<vmem_shared>>) target(%dma_start3A_359 : memref<104x64xf32, #tpu.memory_space<vmem>>) target_semaphore(%run_scoped3A_348 : memref<!tpu.dma_semaphore, #tpu.memory_space<semaphore_mem>>)
          %dma_wait3A_363 = arith.constant 0 : i32
          %dma_wait3A_364 = arith.constant 0 : i32
          %dma_wait3A_365 = tpu.memref_slice %arg8[%rem3A_256, %dma_wait3A_363, %dma_wait3A_364] : memref<6x104x64xf32, #tpu.memory_space<vmem>> -> memref<1x104x64xf32, #tpu.memory_space<vmem>>
          %dma_wait3A_366 = tpu.memref_squeeze %dma_wait3A_365 : memref<1x104x64xf32, #tpu.memory_space<vmem>> -> memref<104x64xf32, #tpu.memory_space<vmem>>
          %dma_wait3A_367 = arith.constant 0 : i32
          %dma_wait3A_368 = arith.constant 0 : i32
          %dma_wait3A_369 = tpu.memref_slice %arg7[%dma_wait3A_367, %dma_wait3A_368] : memref<200x64xf32, #tpu.memory_space<vmem_shared>> -> memref<104x64xf32, #tpu.memory_space<vmem_shared>>
          %dma_wait3A_370 = arith.constant 0 : i32
          %dma_wait3A_371 = arith.constant 0 : i32
          %dma_wait3A_372 = tpu.memref_slice %arg8[%rem3A_256, %dma_wait3A_370, %dma_wait3A_371] : memref<6x104x64xf32, #tpu.memory_space<vmem>> -> memref<1x104x64xf32, #tpu.memory_space<vmem>>
          %dma_wait3A_373 = tpu.memref_squeeze %dma_wait3A_372 : memref<1x104x64xf32, #tpu.memory_space<vmem>> -> memref<104x64xf32, #tpu.memory_space<vmem>>
          %dma_wait3A_374 = arith.constant 0 : i32
          %dma_wait3A_375 = arith.constant 0 : i32
          %dma_wait3A_376 = tpu.memref_slice %arg7[%dma_wait3A_374, %dma_wait3A_375] : memref<200x64xf32, #tpu.memory_space<vmem_shared>> -> memref<104x64xf32, #tpu.memory_space<vmem_shared>>
          tpu.wait_dma2 semaphore(%run_scoped3A_348 : memref<!tpu.dma_semaphore, #tpu.memory_space<semaphore_mem>>) src(%dma_wait3A_376 : memref<104x64xf32, #tpu.memory_space<vmem_shared>>) dst(%dma_wait3A_373 : memref<104x64xf32, #tpu.memory_space<vmem>>)
          tpu.yield
        }) : () -> ()
        "tpu.region"() ({
          %run_scoped3A_348 = tpu.sem_alloc : memref<!tpu.dma_semaphore, #tpu.memory_space<semaphore_mem>>
          %dma_start3A_349 = arith.constant 0 : i32
          %dma_start3A_350 = arith.constant 0 : i32
          %dma_start3A_351 = tpu.memref_slice %arg9[%rem3A_256, %dma_start3A_349, %dma_start3A_350] : memref<6x96x64xf32, #tpu.memory_space<vmem>> -> memref<1x96x64xf32, #tpu.memory_space<vmem>>
          %dma_start3A_352 = tpu.memref_squeeze %dma_start3A_351 : memref<1x96x64xf32, #tpu.memory_space<vmem>> -> memref<96x64xf32, #tpu.memory_space<vmem>>
          %dma_start3A_353 = arith.constant 104 : i32
          %dma_start3A_354 = arith.constant 0 : i32
          %dma_start3A_355 = tpu.memref_slice %arg7[%dma_start3A_353, %dma_start3A_354] : memref<200x64xf32, #tpu.memory_space<vmem_shared>> -> memref<96x64xf32, #tpu.memory_space<vmem_shared>>
          %dma_start3A_356 = arith.constant 0 : i32
          %dma_start3A_357 = arith.constant 0 : i32
          %dma_start3A_358 = tpu.memref_slice %arg9[%rem3A_256, %dma_start3A_356, %dma_start3A_357] : memref<6x96x64xf32, #tpu.memory_space<vmem>> -> memref<1x96x64xf32, #tpu.memory_space<vmem>>
          %dma_start3A_359 = tpu.memref_squeeze %dma_start3A_358 : memref<1x96x64xf32, #tpu.memory_space<vmem>> -> memref<96x64xf32, #tpu.memory_space<vmem>>
          %dma_start3A_360 = arith.constant 104 : i32
          %dma_start3A_361 = arith.constant 0 : i32
          %dma_start3A_362 = tpu.memref_slice %arg7[%dma_start3A_360, %dma_start3A_361] : memref<200x64xf32, #tpu.memory_space<vmem_shared>> -> memref<96x64xf32, #tpu.memory_space<vmem_shared>>
          tpu.enqueue_dma source(%dma_start3A_362 : memref<96x64xf32, #tpu.memory_space<vmem_shared>>) target(%dma_start3A_359 : memref<96x64xf32, #tpu.memory_space<vmem>>) target_semaphore(%run_scoped3A_348 : memref<!tpu.dma_semaphore, #tpu.memory_space<semaphore_mem>>)
          %dma_wait3A_363 = arith.constant 0 : i32
          %dma_wait3A_364 = arith.constant 0 : i32
          %dma_wait3A_365 = tpu.memref_slice %arg9[%rem3A_256, %dma_wait3A_363, %dma_wait3A_364] : memref<6x96x64xf32, #tpu.memory_space<vmem>> -> memref<1x96x64xf32, #tpu.memory_space<vmem>>
          %dma_wait3A_366 = tpu.memref_squeeze %dma_wait3A_365 : memref<1x96x64xf32, #tpu.memory_space<vmem>> -> memref<96x64xf32, #tpu.memory_space<vmem>>
          %dma_wait3A_367 = arith.constant 104 : i32
          %dma_wait3A_368 = arith.constant 0 : i32
          %dma_wait3A_369 = tpu.memref_slice %arg7[%dma_wait3A_367, %dma_wait3A_368] : memref<200x64xf32, #tpu.memory_space<vmem_shared>> -> memref<96x64xf32, #tpu.memory_space<vmem_shared>>
          %dma_wait3A_370 = arith.constant 0 : i32
          %dma_wait3A_371 = arith.constant 0 : i32
          %dma_wait3A_372 = tpu.memref_slice %arg9[%rem3A_256, %dma_wait3A_370, %dma_wait3A_371] : memref<6x96x64xf32, #tpu.memory_space<vmem>> -> memref<1x96x64xf32, #tpu.memory_space<vmem>>
          %dma_wait3A_373 = tpu.memref_squeeze %dma_wait3A_372 : memref<1x96x64xf32, #tpu.memory_space<vmem>> -> memref<96x64xf32, #tpu.memory_space<vmem>>
          %dma_wait3A_374 = arith.constant 104 : i32
          %dma_wait3A_375 = arith.constant 0 : i32
          %dma_wait3A_376 = tpu.memref_slice %arg7[%dma_wait3A_374, %dma_wait3A_375] : memref<200x64xf32, #tpu.memory_space<vmem_shared>> -> memref<96x64xf32, #tpu.memory_space<vmem_shared>>
          tpu.wait_dma2 semaphore(%run_scoped3A_348 : memref<!tpu.dma_semaphore, #tpu.memory_space<semaphore_mem>>) src(%dma_wait3A_376 : memref<96x64xf32, #tpu.memory_space<vmem_shared>>) dst(%dma_wait3A_373 : memref<96x64xf32, #tpu.memory_space<vmem>>)
          tpu.yield
        }) : () -> ()
        %dma_start3A_326 = arith.constant 0 : i32
        %dma_start3A_327 = arith.constant 0 : i32
        %dma_start3A_328 = tpu.memref_slice %arg8[%rem3A_256, %dma_start3A_326, %dma_start3A_327] : memref<6x104x64xf32, #tpu.memory_space<vmem>> -> memref<1x104x64xf32, #tpu.memory_space<vmem>>
        %dma_start3A_329 = tpu.memref_squeeze %dma_start3A_328 : memref<1x104x64xf32, #tpu.memory_space<vmem>> -> memref<104x64xf32, #tpu.memory_space<vmem>>
        %dma_start3A_330 = tpu.memref_slice %arg6[%mul3A_325] : memref<25600xi32, #tpu.memory_space<vmem>> -> memref<104xi32, #tpu.memory_space<vmem>>
        %dma_start3A_331 = arith.constant 0 : i32
        %dma_start3A_332 = arith.constant 0 : i32
        %dma_start3A_333 = tpu.memref_slice %arg3[%dma_start3A_331, %dma_start3A_332] : memref<1000000x64xf32, #tpu.memory_space<hbm>> -> memref<1000000x64xf32, #tpu.memory_space<hbm>>
        %dma_start3A_334 = tpu.memref_slice %arg10[%rem3A_256] : memref<6x!tpu.dma_semaphore, #tpu.memory_space<semaphore_mem>> -> memref<1x!tpu.dma_semaphore, #tpu.memory_space<semaphore_mem>>
        %dma_start3A_335 = tpu.memref_squeeze %dma_start3A_334 : memref<1x!tpu.dma_semaphore, #tpu.memory_space<semaphore_mem>> -> memref<!tpu.dma_semaphore, #tpu.memory_space<semaphore_mem>>
        tpu.enqueue_indirect_dma source(%dma_start3A_333 : memref<1000000x64xf32, #tpu.memory_space<hbm>>) target(%dma_start3A_329 : memref<104x64xf32, #tpu.memory_space<vmem>>) offsets(%dma_start3A_330 : memref<104xi32, #tpu.memory_space<vmem>>) semaphore(%dma_start3A_335 : memref<!tpu.dma_semaphore, #tpu.memory_space<semaphore_mem>>) {add = true}
        %add3A_336 = arith.constant 104 : i32
        %add3A_337 = arith.addi %mul3A_325, %add3A_336 : i32
        %dma_start3A_338 = arith.constant 0 : i32
        %dma_start3A_339 = arith.constant 0 : i32
        %dma_start3A_340 = tpu.memref_slice %arg9[%rem3A_256, %dma_start3A_338, %dma_start3A_339] : memref<6x96x64xf32, #tpu.memory_space<vmem>> -> memref<1x96x64xf32, #tpu.memory_space<vmem>>
        %dma_start3A_341 = tpu.memref_squeeze %dma_start3A_340 : memref<1x96x64xf32, #tpu.memory_space<vmem>> -> memref<96x64xf32, #tpu.memory_space<vmem>>
        %dma_start3A_342 = tpu.memref_slice %arg6[%add3A_337] : memref<25600xi32, #tpu.memory_space<vmem>> -> memref<96xi32, #tpu.memory_space<vmem>>
        %dma_start3A_343 = arith.constant 0 : i32
        %dma_start3A_344 = arith.constant 0 : i32
        %dma_start3A_345 = tpu.memref_slice %arg3[%dma_start3A_343, %dma_start3A_344] : memref<1000000x64xf32, #tpu.memory_space<hbm>> -> memref<1000000x64xf32, #tpu.memory_space<hbm>>
        %dma_start3A_346 = tpu.memref_slice %arg10[%rem3A_256] : memref<6x!tpu.dma_semaphore, #tpu.memory_space<semaphore_mem>> -> memref<1x!tpu.dma_semaphore, #tpu.memory_space<semaphore_mem>>
        %dma_start3A_347 = tpu.memref_squeeze %dma_start3A_346 : memref<1x!tpu.dma_semaphore, #tpu.memory_space<semaphore_mem>> -> memref<!tpu.dma_semaphore, #tpu.memory_space<semaphore_mem>>
        tpu.enqueue_indirect_dma source(%dma_start3A_345 : memref<1000000x64xf32, #tpu.memory_space<hbm>>) target(%dma_start3A_341 : memref<96x64xf32, #tpu.memory_space<vmem>>) offsets(%dma_start3A_342 : memref<96xi32, #tpu.memory_space<vmem>>) semaphore(%dma_start3A_347 : memref<!tpu.dma_semaphore, #tpu.memory_space<semaphore_mem>>) {add = true}
      } else {
      }
      %dma_wait3A_263 = arith.constant 0 : i32
      %dma_wait3A_264 = arith.constant 0 : i32
      %dma_wait3A_265 = tpu.memref_slice %arg8[%rem3A_252, %dma_wait3A_263, %dma_wait3A_264] : memref<6x104x64xf32, #tpu.memory_space<vmem>> -> memref<1x104x64xf32, #tpu.memory_space<vmem>>
      %dma_wait3A_266 = tpu.memref_squeeze %dma_wait3A_265 : memref<1x104x64xf32, #tpu.memory_space<vmem>> -> memref<104x64xf32, #tpu.memory_space<vmem>>
      %dma_wait3A_267 = arith.constant 0 : i32
      %dma_wait3A_268 = tpu.memref_slice %arg6[%dma_wait3A_267] : memref<25600xi32, #tpu.memory_space<vmem>> -> memref<104xi32, #tpu.memory_space<vmem>>
      %dma_wait3A_269 = arith.constant 0 : i32
      %dma_wait3A_270 = arith.constant 0 : i32
      %dma_wait3A_271 = tpu.memref_slice %arg3[%dma_wait3A_269, %dma_wait3A_270] : memref<1000000x64xf32, #tpu.memory_space<hbm>> -> memref<1000000x64xf32, #tpu.memory_space<hbm>>
      %dma_wait3A_272 = tpu.memref_slice %arg10[%rem3A_252] : memref<6x!tpu.dma_semaphore, #tpu.memory_space<semaphore_mem>> -> memref<1x!tpu.dma_semaphore, #tpu.memory_space<semaphore_mem>>
      %dma_wait3A_273 = tpu.memref_squeeze %dma_wait3A_272 : memref<1x!tpu.dma_semaphore, #tpu.memory_space<semaphore_mem>> -> memref<!tpu.dma_semaphore, #tpu.memory_space<semaphore_mem>>
      tpu.wait_indirect_dma semaphore(%dma_wait3A_273 : memref<!tpu.dma_semaphore, #tpu.memory_space<semaphore_mem>>) src(%dma_wait3A_271 : memref<1000000x64xf32, #tpu.memory_space<hbm>>) dst(%dma_wait3A_266 : memref<104x64xf32, #tpu.memory_space<vmem>>)
      %dma_wait3A_274 = arith.constant 0 : i32
      %dma_wait3A_275 = arith.constant 0 : i32
      %dma_wait3A_276 = tpu.memref_slice %arg9[%rem3A_252, %dma_wait3A_274, %dma_wait3A_275] : memref<6x96x64xf32, #tpu.memory_space<vmem>> -> memref<1x96x64xf32, #tpu.memory_space<vmem>>
      %dma_wait3A_277 = tpu.memref_squeeze %dma_wait3A_276 : memref<1x96x64xf32, #tpu.memory_space<vmem>> -> memref<96x64xf32, #tpu.memory_space<vmem>>
      %dma_wait3A_278 = arith.constant 0 : i32
      %dma_wait3A_279 = tpu.memref_slice %arg6[%dma_wait3A_278] : memref<25600xi32, #tpu.memory_space<vmem>> -> memref<96xi32, #tpu.memory_space<vmem>>
      %dma_wait3A_280 = arith.constant 0 : i32
      %dma_wait3A_281 = arith.constant 0 : i32
      %dma_wait3A_282 = tpu.memref_slice %arg3[%dma_wait3A_280, %dma_wait3A_281] : memref<1000000x64xf32, #tpu.memory_space<hbm>> -> memref<1000000x64xf32, #tpu.memory_space<hbm>>
      %dma_wait3A_283 = tpu.memref_slice %arg10[%rem3A_252] : memref<6x!tpu.dma_semaphore, #tpu.memory_space<semaphore_mem>> -> memref<1x!tpu.dma_semaphore, #tpu.memory_space<semaphore_mem>>
      %dma_wait3A_284 = tpu.memref_squeeze %dma_wait3A_283 : memref<1x!tpu.dma_semaphore, #tpu.memory_space<semaphore_mem>> -> memref<!tpu.dma_semaphore, #tpu.memory_space<semaphore_mem>>
      tpu.wait_indirect_dma semaphore(%dma_wait3A_284 : memref<!tpu.dma_semaphore, #tpu.memory_space<semaphore_mem>>) src(%dma_wait3A_282 : memref<1000000x64xf32, #tpu.memory_space<hbm>>) dst(%dma_wait3A_277 : memref<96x64xf32, #tpu.memory_space<vmem>>)
      %mul3A_285 = arith.constant 200 : i32
      %mul3A_286 = arith.muli %scan3A_251, %mul3A_285 : i32
      %add3A_287 = arith.addi %mul3A_2, %mul3A_286 : i32
      %dma_start3A_288 = arith.constant 0 : i32
      %dma_start3A_289 = arith.constant 0 : i32
      %dma_start3A_290 = tpu.memref_slice %arg8[%rem3A_252, %dma_start3A_288, %dma_start3A_289] : memref<6x104x64xf32, #tpu.memory_space<vmem>> -> memref<1x104x64xf32, #tpu.memory_space<vmem>>
      %dma_start3A_291 = tpu.memref_squeeze %dma_start3A_290 : memref<1x104x64xf32, #tpu.memory_space<vmem>> -> memref<104x64xf32, #tpu.memory_space<vmem>>
      %dma_start3A_292 = arith.constant 0 : i32
      %dma_start3A_293 = tpu.memref_slice %arg5[%add3A_287, %dma_start3A_292] : memref<819200x64xf32, #tpu.memory_space<hbm>> -> memref<104x64xf32, #tpu.memory_space<hbm>>
      %dma_start3A_294 = tpu.memref_slice %arg11[%rem3A_252] : memref<6x!tpu.dma_semaphore, #tpu.memory_space<semaphore_mem>> -> memref<1x!tpu.dma_semaphore, #tpu.memory_space<semaphore_mem>>
      %dma_start3A_295 = tpu.memref_squeeze %dma_start3A_294 : memref<1x!tpu.dma_semaphore, #tpu.memory_space<semaphore_mem>> -> memref<!tpu.dma_semaphore, #tpu.memory_space<semaphore_mem>>
      %dma_start3A_296 = arith.constant 0 : i32
      %dma_start3A_297 = tpu.memref_slice %arg5[%add3A_287, %dma_start3A_296] : memref<819200x64xf32, #tpu.memory_space<hbm>> -> memref<104x64xf32, #tpu.memory_space<hbm>>
      %dma_start3A_298 = arith.constant 0 : i32
      %dma_start3A_299 = arith.constant 0 : i32
      %dma_start3A_300 = tpu.memref_slice %arg8[%rem3A_252, %dma_start3A_298, %dma_start3A_299] : memref<6x104x64xf32, #tpu.memory_space<vmem>> -> memref<1x104x64xf32, #tpu.memory_space<vmem>>
      %dma_start3A_301 = tpu.memref_squeeze %dma_start3A_300 : memref<1x104x64xf32, #tpu.memory_space<vmem>> -> memref<104x64xf32, #tpu.memory_space<vmem>>
      tpu.enqueue_dma source(%dma_start3A_301 : memref<104x64xf32, #tpu.memory_space<vmem>>) target(%dma_start3A_297 : memref<104x64xf32, #tpu.memory_space<hbm>>) target_semaphore(%dma_start3A_295 : memref<!tpu.dma_semaphore, #tpu.memory_space<semaphore_mem>>)
      %add3A_302 = arith.constant 104 : i32
      %add3A_303 = arith.addi %add3A_287, %add3A_302 : i32
      %dma_start3A_304 = arith.constant 0 : i32
      %dma_start3A_305 = arith.constant 0 : i32
      %dma_start3A_306 = tpu.memref_slice %arg9[%rem3A_252, %dma_start3A_304, %dma_start3A_305] : memref<6x96x64xf32, #tpu.memory_space<vmem>> -> memref<1x96x64xf32, #tpu.memory_space<vmem>>
      %dma_start3A_307 = tpu.memref_squeeze %dma_start3A_306 : memref<1x96x64xf32, #tpu.memory_space<vmem>> -> memref<96x64xf32, #tpu.memory_space<vmem>>
      %dma_start3A_308 = arith.constant 0 : i32
      %dma_start3A_309 = tpu.memref_slice %arg5[%add3A_303, %dma_start3A_308] : memref<819200x64xf32, #tpu.memory_space<hbm>> -> memref<96x64xf32, #tpu.memory_space<hbm>>
      %dma_start3A_310 = tpu.memref_slice %arg11[%rem3A_252] : memref<6x!tpu.dma_semaphore, #tpu.memory_space<semaphore_mem>> -> memref<1x!tpu.dma_semaphore, #tpu.memory_space<semaphore_mem>>
      %dma_start3A_311 = tpu.memref_squeeze %dma_start3A_310 : memref<1x!tpu.dma_semaphore, #tpu.memory_space<semaphore_mem>> -> memref<!tpu.dma_semaphore, #tpu.memory_space<semaphore_mem>>
      %dma_start3A_312 = arith.constant 0 : i32
      %dma_start3A_313 = tpu.memref_slice %arg5[%add3A_303, %dma_start3A_312] : memref<819200x64xf32, #tpu.memory_space<hbm>> -> memref<96x64xf32, #tpu.memory_space<hbm>>
      %dma_start3A_314 = arith.constant 0 : i32
      %dma_start3A_315 = arith.constant 0 : i32
      %dma_start3A_316 = tpu.memref_slice %arg9[%rem3A_252, %dma_start3A_314, %dma_start3A_315] : memref<6x96x64xf32, #tpu.memory_space<vmem>> -> memref<1x96x64xf32, #tpu.memory_space<vmem>>
      %dma_start3A_317 = tpu.memref_squeeze %dma_start3A_316 : memref<1x96x64xf32, #tpu.memory_space<vmem>> -> memref<96x64xf32, #tpu.memory_space<vmem>>
      tpu.enqueue_dma source(%dma_start3A_317 : memref<96x64xf32, #tpu.memory_space<vmem>>) target(%dma_start3A_313 : memref<96x64xf32, #tpu.memory_space<hbm>>) target_semaphore(%dma_start3A_311 : memref<!tpu.dma_semaphore, #tpu.memory_space<semaphore_mem>>)
    }
    %scan3A_35 = arith.constant 128 : i32
    %dma_wait3A = arith.constant 0 : i32
    %dma_wait3A_36 = arith.constant 0 : i32
    %dma_wait3A_37 = arith.constant 0 : i32
    %dma_wait3A_38 = arith.constant 0 : i32
    %dma_wait3A_39 = tpu.memref_slice %arg8[%dma_wait3A, %dma_wait3A_37, %dma_wait3A_38] : memref<6x104x64xf32, #tpu.memory_space<vmem>> -> memref<1x104x64xf32, #tpu.memory_space<vmem>>
    %dma_wait3A_40 = tpu.memref_squeeze %dma_wait3A_39 : memref<1x104x64xf32, #tpu.memory_space<vmem>> -> memref<104x64xf32, #tpu.memory_space<vmem>>
    %dma_wait3A_41 = arith.constant 0 : i32
    %dma_wait3A_42 = arith.constant 0 : i32
    %dma_wait3A_43 = tpu.memref_slice %arg5[%dma_wait3A_41, %dma_wait3A_42] : memref<819200x64xf32, #tpu.memory_space<hbm>> -> memref<104x64xf32, #tpu.memory_space<hbm>>
    %dma_wait3A_44 = tpu.memref_slice %arg11[%dma_wait3A_36] : memref<6x!tpu.dma_semaphore, #tpu.memory_space<semaphore_mem>> -> memref<1x!tpu.dma_semaphore, #tpu.memory_space<semaphore_mem>>
    %dma_wait3A_45 = tpu.memref_squeeze %dma_wait3A_44 : memref<1x!tpu.dma_semaphore, #tpu.memory_space<semaphore_mem>> -> memref<!tpu.dma_semaphore, #tpu.memory_space<semaphore_mem>>
    %dma_wait3A_46 = arith.constant 0 : i32
    %dma_wait3A_47 = arith.constant 0 : i32
    %dma_wait3A_48 = tpu.memref_slice %arg5[%dma_wait3A_46, %dma_wait3A_47] : memref<819200x64xf32, #tpu.memory_space<hbm>> -> memref<104x64xf32, #tpu.memory_space<hbm>>
    %dma_wait3A_49 = arith.constant 0 : i32
    %dma_wait3A_50 = arith.constant 0 : i32
    %dma_wait3A_51 = tpu.memref_slice %arg8[%dma_wait3A, %dma_wait3A_49, %dma_wait3A_50] : memref<6x104x64xf32, #tpu.memory_space<vmem>> -> memref<1x104x64xf32, #tpu.memory_space<vmem>>
    %dma_wait3A_52 = tpu.memref_squeeze %dma_wait3A_51 : memref<1x104x64xf32, #tpu.memory_space<vmem>> -> memref<104x64xf32, #tpu.memory_space<vmem>>
    tpu.wait_dma2 semaphore(%dma_wait3A_45 : memref<!tpu.dma_semaphore, #tpu.memory_space<semaphore_mem>>) src(%dma_wait3A_52 : memref<104x64xf32, #tpu.memory_space<vmem>>) dst(%dma_wait3A_48 : memref<104x64xf32, #tpu.memory_space<hbm>>)
    %dma_wait3A_53 = arith.constant 0 : i32
    %dma_wait3A_54 = arith.constant 0 : i32
    %dma_wait3A_55 = arith.constant 0 : i32
    %dma_wait3A_56 = arith.constant 0 : i32
    %dma_wait3A_57 = tpu.memref_slice %arg9[%dma_wait3A_53, %dma_wait3A_55, %dma_wait3A_56] : memref<6x96x64xf32, #tpu.memory_space<vmem>> -> memref<1x96x64xf32, #tpu.memory_space<vmem>>
    %dma_wait3A_58 = tpu.memref_squeeze %dma_wait3A_57 : memref<1x96x64xf32, #tpu.memory_space<vmem>> -> memref<96x64xf32, #tpu.memory_space<vmem>>
    %dma_wait3A_59 = arith.constant 0 : i32
    %dma_wait3A_60 = arith.constant 0 : i32
    %dma_wait3A_61 = tpu.memref_slice %arg5[%dma_wait3A_59, %dma_wait3A_60] : memref<819200x64xf32, #tpu.memory_space<hbm>> -> memref<96x64xf32, #tpu.memory_space<hbm>>
    %dma_wait3A_62 = tpu.memref_slice %arg11[%dma_wait3A_54] : memref<6x!tpu.dma_semaphore, #tpu.memory_space<semaphore_mem>> -> memref<1x!tpu.dma_semaphore, #tpu.memory_space<semaphore_mem>>
    %dma_wait3A_63 = tpu.memref_squeeze %dma_wait3A_62 : memref<1x!tpu.dma_semaphore, #tpu.memory_space<semaphore_mem>> -> memref<!tpu.dma_semaphore, #tpu.memory_space<semaphore_mem>>
    %dma_wait3A_64 = arith.constant 0 : i32
    %dma_wait3A_65 = arith.constant 0 : i32
    %dma_wait3A_66 = tpu.memref_slice %arg5[%dma_wait3A_64, %dma_wait3A_65] : memref<819200x64xf32, #tpu.memory_space<hbm>> -> memref<96x64xf32, #tpu.memory_space<hbm>>
    %dma_wait3A_67 = arith.constant 0 : i32
    %dma_wait3A_68 = arith.constant 0 : i32
    %dma_wait3A_69 = tpu.memref_slice %arg9[%dma_wait3A_53, %dma_wait3A_67, %dma_wait3A_68] : memref<6x96x64xf32, #tpu.memory_space<vmem>> -> memref<1x96x64xf32, #tpu.memory_space<vmem>>
    %dma_wait3A_70 = tpu.memref_squeeze %dma_wait3A_69 : memref<1x96x64xf32, #tpu.memory_space<vmem>> -> memref<96x64xf32, #tpu.memory_space<vmem>>
    tpu.wait_dma2 semaphore(%dma_wait3A_63 : memref<!tpu.dma_semaphore, #tpu.memory_space<semaphore_mem>>) src(%dma_wait3A_70 : memref<96x64xf32, #tpu.memory_space<vmem>>) dst(%dma_wait3A_66 : memref<96x64xf32, #tpu.memory_space<hbm>>)
    %dma_wait3A_71 = arith.constant 1 : i32
    %dma_wait3A_72 = arith.constant 1 : i32
    %dma_wait3A_73 = arith.constant 0 : i32
    %dma_wait3A_74 = arith.constant 0 : i32
    %dma_wait3A_75 = tpu.memref_slice %arg8[%dma_wait3A_71, %dma_wait3A_73, %dma_wait3A_74] : memref<6x104x64xf32, #tpu.memory_space<vmem>> -> memref<1x104x64xf32, #tpu.memory_space<vmem>>
    %dma_wait3A_76 = tpu.memref_squeeze %dma_wait3A_75 : memref<1x104x64xf32, #tpu.memory_space<vmem>> -> memref<104x64xf32, #tpu.memory_space<vmem>>
    %dma_wait3A_77 = arith.constant 0 : i32
    %dma_wait3A_78 = arith.constant 0 : i32
    %dma_wait3A_79 = tpu.memref_slice %arg5[%dma_wait3A_77, %dma_wait3A_78] : memref<819200x64xf32, #tpu.memory_space<hbm>> -> memref<104x64xf32, #tpu.memory_space<hbm>>
    %dma_wait3A_80 = tpu.memref_slice %arg11[%dma_wait3A_72] : memref<6x!tpu.dma_semaphore, #tpu.memory_space<semaphore_mem>> -> memref<1x!tpu.dma_semaphore, #tpu.memory_space<semaphore_mem>>
    %dma_wait3A_81 = tpu.memref_squeeze %dma_wait3A_80 : memref<1x!tpu.dma_semaphore, #tpu.memory_space<semaphore_mem>> -> memref<!tpu.dma_semaphore, #tpu.memory_space<semaphore_mem>>
    %dma_wait3A_82 = arith.constant 0 : i32
    %dma_wait3A_83 = arith.constant 0 : i32
    %dma_wait3A_84 = tpu.memref_slice %arg5[%dma_wait3A_82, %dma_wait3A_83] : memref<819200x64xf32, #tpu.memory_space<hbm>> -> memref<104x64xf32, #tpu.memory_space<hbm>>
    %dma_wait3A_85 = arith.constant 0 : i32
    %dma_wait3A_86 = arith.constant 0 : i32
    %dma_wait3A_87 = tpu.memref_slice %arg8[%dma_wait3A_71, %dma_wait3A_85, %dma_wait3A_86] : memref<6x104x64xf32, #tpu.memory_space<vmem>> -> memref<1x104x64xf32, #tpu.memory_space<vmem>>
    %dma_wait3A_88 = tpu.memref_squeeze %dma_wait3A_87 : memref<1x104x64xf32, #tpu.memory_space<vmem>> -> memref<104x64xf32, #tpu.memory_space<vmem>>
    tpu.wait_dma2 semaphore(%dma_wait3A_81 : memref<!tpu.dma_semaphore, #tpu.memory_space<semaphore_mem>>) src(%dma_wait3A_88 : memref<104x64xf32, #tpu.memory_space<vmem>>) dst(%dma_wait3A_84 : memref<104x64xf32, #tpu.memory_space<hbm>>)
    %dma_wait3A_89 = arith.constant 1 : i32
    %dma_wait3A_90 = arith.constant 1 : i32
    %dma_wait3A_91 = arith.constant 0 : i32
    %dma_wait3A_92 = arith.constant 0 : i32
    %dma_wait3A_93 = tpu.memref_slice %arg9[%dma_wait3A_89, %dma_wait3A_91, %dma_wait3A_92] : memref<6x96x64xf32, #tpu.memory_space<vmem>> -> memref<1x96x64xf32, #tpu.memory_space<vmem>>
    %dma_wait3A_94 = tpu.memref_squeeze %dma_wait3A_93 : memref<1x96x64xf32, #tpu.memory_space<vmem>> -> memref<96x64xf32, #tpu.memory_space<vmem>>
    %dma_wait3A_95 = arith.constant 0 : i32
    %dma_wait3A_96 = arith.constant 0 : i32
    %dma_wait3A_97 = tpu.memref_slice %arg5[%dma_wait3A_95, %dma_wait3A_96] : memref<819200x64xf32, #tpu.memory_space<hbm>> -> memref<96x64xf32, #tpu.memory_space<hbm>>
    %dma_wait3A_98 = tpu.memref_slice %arg11[%dma_wait3A_90] : memref<6x!tpu.dma_semaphore, #tpu.memory_space<semaphore_mem>> -> memref<1x!tpu.dma_semaphore, #tpu.memory_space<semaphore_mem>>
    %dma_wait3A_99 = tpu.memref_squeeze %dma_wait3A_98 : memref<1x!tpu.dma_semaphore, #tpu.memory_space<semaphore_mem>> -> memref<!tpu.dma_semaphore, #tpu.memory_space<semaphore_mem>>
    %dma_wait3A_100 = arith.constant 0 : i32
    %dma_wait3A_101 = arith.constant 0 : i32
    %dma_wait3A_102 = tpu.memref_slice %arg5[%dma_wait3A_100, %dma_wait3A_101] : memref<819200x64xf32, #tpu.memory_space<hbm>> -> memref<96x64xf32, #tpu.memory_space<hbm>>
    %dma_wait3A_103 = arith.constant 0 : i32
    %dma_wait3A_104 = arith.constant 0 : i32
    %dma_wait3A_105 = tpu.memref_slice %arg9[%dma_wait3A_89, %dma_wait3A_103, %dma_wait3A_104] : memref<6x96x64xf32, #tpu.memory_space<vmem>> -> memref<1x96x64xf32, #tpu.memory_space<vmem>>
    %dma_wait3A_106 = tpu.memref_squeeze %dma_wait3A_105 : memref<1x96x64xf32, #tpu.memory_space<vmem>> -> memref<96x64xf32, #tpu.memory_space<vmem>>
    tpu.wait_dma2 semaphore(%dma_wait3A_99 : memref<!tpu.dma_semaphore, #tpu.memory_space<semaphore_mem>>) src(%dma_wait3A_106 : memref<96x64xf32, #tpu.memory_space<vmem>>) dst(%dma_wait3A_102 : memref<96x64xf32, #tpu.memory_space<hbm>>)
    %dma_wait3A_107 = arith.constant 2 : i32
    %dma_wait3A_108 = arith.constant 2 : i32
    %dma_wait3A_109 = arith.constant 0 : i32
    %dma_wait3A_110 = arith.constant 0 : i32
    %dma_wait3A_111 = tpu.memref_slice %arg8[%dma_wait3A_107, %dma_wait3A_109, %dma_wait3A_110] : memref<6x104x64xf32, #tpu.memory_space<vmem>> -> memref<1x104x64xf32, #tpu.memory_space<vmem>>
    %dma_wait3A_112 = tpu.memref_squeeze %dma_wait3A_111 : memref<1x104x64xf32, #tpu.memory_space<vmem>> -> memref<104x64xf32, #tpu.memory_space<vmem>>
    %dma_wait3A_113 = arith.constant 0 : i32
    %dma_wait3A_114 = arith.constant 0 : i32
    %dma_wait3A_115 = tpu.memref_slice %arg5[%dma_wait3A_113, %dma_wait3A_114] : memref<819200x64xf32, #tpu.memory_space<hbm>> -> memref<104x64xf32, #tpu.memory_space<hbm>>
    %dma_wait3A_116 = tpu.memref_slice %arg11[%dma_wait3A_108] : memref<6x!tpu.dma_semaphore, #tpu.memory_space<semaphore_mem>> -> memref<1x!tpu.dma_semaphore, #tpu.memory_space<semaphore_mem>>
    %dma_wait3A_117 = tpu.memref_squeeze %dma_wait3A_116 : memref<1x!tpu.dma_semaphore, #tpu.memory_space<semaphore_mem>> -> memref<!tpu.dma_semaphore, #tpu.memory_space<semaphore_mem>>
    %dma_wait3A_118 = arith.constant 0 : i32
    %dma_wait3A_119 = arith.constant 0 : i32
    %dma_wait3A_120 = tpu.memref_slice %arg5[%dma_wait3A_118, %dma_wait3A_119] : memref<819200x64xf32, #tpu.memory_space<hbm>> -> memref<104x64xf32, #tpu.memory_space<hbm>>
    %dma_wait3A_121 = arith.constant 0 : i32
    %dma_wait3A_122 = arith.constant 0 : i32
    %dma_wait3A_123 = tpu.memref_slice %arg8[%dma_wait3A_107, %dma_wait3A_121, %dma_wait3A_122] : memref<6x104x64xf32, #tpu.memory_space<vmem>> -> memref<1x104x64xf32, #tpu.memory_space<vmem>>
    %dma_wait3A_124 = tpu.memref_squeeze %dma_wait3A_123 : memref<1x104x64xf32, #tpu.memory_space<vmem>> -> memref<104x64xf32, #tpu.memory_space<vmem>>
    tpu.wait_dma2 semaphore(%dma_wait3A_117 : memref<!tpu.dma_semaphore, #tpu.memory_space<semaphore_mem>>) src(%dma_wait3A_124 : memref<104x64xf32, #tpu.memory_space<vmem>>) dst(%dma_wait3A_120 : memref<104x64xf32, #tpu.memory_space<hbm>>)
    %dma_wait3A_125 = arith.constant 2 : i32
    %dma_wait3A_126 = arith.constant 2 : i32
    %dma_wait3A_127 = arith.constant 0 : i32
    %dma_wait3A_128 = arith.constant 0 : i32
    %dma_wait3A_129 = tpu.memref_slice %arg9[%dma_wait3A_125, %dma_wait3A_127, %dma_wait3A_128] : memref<6x96x64xf32, #tpu.memory_space<vmem>> -> memref<1x96x64xf32, #tpu.memory_space<vmem>>
    %dma_wait3A_130 = tpu.memref_squeeze %dma_wait3A_129 : memref<1x96x64xf32, #tpu.memory_space<vmem>> -> memref<96x64xf32, #tpu.memory_space<vmem>>
    %dma_wait3A_131 = arith.constant 0 : i32
    %dma_wait3A_132 = arith.constant 0 : i32
    %dma_wait3A_133 = tpu.memref_slice %arg5[%dma_wait3A_131, %dma_wait3A_132] : memref<819200x64xf32, #tpu.memory_space<hbm>> -> memref<96x64xf32, #tpu.memory_space<hbm>>
    %dma_wait3A_134 = tpu.memref_slice %arg11[%dma_wait3A_126] : memref<6x!tpu.dma_semaphore, #tpu.memory_space<semaphore_mem>> -> memref<1x!tpu.dma_semaphore, #tpu.memory_space<semaphore_mem>>
    %dma_wait3A_135 = tpu.memref_squeeze %dma_wait3A_134 : memref<1x!tpu.dma_semaphore, #tpu.memory_space<semaphore_mem>> -> memref<!tpu.dma_semaphore, #tpu.memory_space<semaphore_mem>>
    %dma_wait3A_136 = arith.constant 0 : i32
    %dma_wait3A_137 = arith.constant 0 : i32
    %dma_wait3A_138 = tpu.memref_slice %arg5[%dma_wait3A_136, %dma_wait3A_137] : memref<819200x64xf32, #tpu.memory_space<hbm>> -> memref<96x64xf32, #tpu.memory_space<hbm>>
    %dma_wait3A_139 = arith.constant 0 : i32
    %dma_wait3A_140 = arith.constant 0 : i32
    %dma_wait3A_141 = tpu.memref_slice %arg9[%dma_wait3A_125, %dma_wait3A_139, %dma_wait3A_140] : memref<6x96x64xf32, #tpu.memory_space<vmem>> -> memref<1x96x64xf32, #tpu.memory_space<vmem>>
    %dma_wait3A_142 = tpu.memref_squeeze %dma_wait3A_141 : memref<1x96x64xf32, #tpu.memory_space<vmem>> -> memref<96x64xf32, #tpu.memory_space<vmem>>
    tpu.wait_dma2 semaphore(%dma_wait3A_135 : memref<!tpu.dma_semaphore, #tpu.memory_space<semaphore_mem>>) src(%dma_wait3A_142 : memref<96x64xf32, #tpu.memory_space<vmem>>) dst(%dma_wait3A_138 : memref<96x64xf32, #tpu.memory_space<hbm>>)
    %dma_wait3A_143 = arith.constant 3 : i32
    %dma_wait3A_144 = arith.constant 3 : i32
    %dma_wait3A_145 = arith.constant 0 : i32
    %dma_wait3A_146 = arith.constant 0 : i32
    %dma_wait3A_147 = tpu.memref_slice %arg8[%dma_wait3A_143, %dma_wait3A_145, %dma_wait3A_146] : memref<6x104x64xf32, #tpu.memory_space<vmem>> -> memref<1x104x64xf32, #tpu.memory_space<vmem>>
    %dma_wait3A_148 = tpu.memref_squeeze %dma_wait3A_147 : memref<1x104x64xf32, #tpu.memory_space<vmem>> -> memref<104x64xf32, #tpu.memory_space<vmem>>
    %dma_wait3A_149 = arith.constant 0 : i32
    %dma_wait3A_150 = arith.constant 0 : i32
    %dma_wait3A_151 = tpu.memref_slice %arg5[%dma_wait3A_149, %dma_wait3A_150] : memref<819200x64xf32, #tpu.memory_space<hbm>> -> memref<104x64xf32, #tpu.memory_space<hbm>>
    %dma_wait3A_152 = tpu.memref_slice %arg11[%dma_wait3A_144] : memref<6x!tpu.dma_semaphore, #tpu.memory_space<semaphore_mem>> -> memref<1x!tpu.dma_semaphore, #tpu.memory_space<semaphore_mem>>
    %dma_wait3A_153 = tpu.memref_squeeze %dma_wait3A_152 : memref<1x!tpu.dma_semaphore, #tpu.memory_space<semaphore_mem>> -> memref<!tpu.dma_semaphore, #tpu.memory_space<semaphore_mem>>
    %dma_wait3A_154 = arith.constant 0 : i32
    %dma_wait3A_155 = arith.constant 0 : i32
    %dma_wait3A_156 = tpu.memref_slice %arg5[%dma_wait3A_154, %dma_wait3A_155] : memref<819200x64xf32, #tpu.memory_space<hbm>> -> memref<104x64xf32, #tpu.memory_space<hbm>>
    %dma_wait3A_157 = arith.constant 0 : i32
    %dma_wait3A_158 = arith.constant 0 : i32
    %dma_wait3A_159 = tpu.memref_slice %arg8[%dma_wait3A_143, %dma_wait3A_157, %dma_wait3A_158] : memref<6x104x64xf32, #tpu.memory_space<vmem>> -> memref<1x104x64xf32, #tpu.memory_space<vmem>>
    %dma_wait3A_160 = tpu.memref_squeeze %dma_wait3A_159 : memref<1x104x64xf32, #tpu.memory_space<vmem>> -> memref<104x64xf32, #tpu.memory_space<vmem>>
    tpu.wait_dma2 semaphore(%dma_wait3A_153 : memref<!tpu.dma_semaphore, #tpu.memory_space<semaphore_mem>>) src(%dma_wait3A_160 : memref<104x64xf32, #tpu.memory_space<vmem>>) dst(%dma_wait3A_156 : memref<104x64xf32, #tpu.memory_space<hbm>>)
    %dma_wait3A_161 = arith.constant 3 : i32
    %dma_wait3A_162 = arith.constant 3 : i32
    %dma_wait3A_163 = arith.constant 0 : i32
    %dma_wait3A_164 = arith.constant 0 : i32
    %dma_wait3A_165 = tpu.memref_slice %arg9[%dma_wait3A_161, %dma_wait3A_163, %dma_wait3A_164] : memref<6x96x64xf32, #tpu.memory_space<vmem>> -> memref<1x96x64xf32, #tpu.memory_space<vmem>>
    %dma_wait3A_166 = tpu.memref_squeeze %dma_wait3A_165 : memref<1x96x64xf32, #tpu.memory_space<vmem>> -> memref<96x64xf32, #tpu.memory_space<vmem>>
    %dma_wait3A_167 = arith.constant 0 : i32
    %dma_wait3A_168 = arith.constant 0 : i32
    %dma_wait3A_169 = tpu.memref_slice %arg5[%dma_wait3A_167, %dma_wait3A_168] : memref<819200x64xf32, #tpu.memory_space<hbm>> -> memref<96x64xf32, #tpu.memory_space<hbm>>
    %dma_wait3A_170 = tpu.memref_slice %arg11[%dma_wait3A_162] : memref<6x!tpu.dma_semaphore, #tpu.memory_space<semaphore_mem>> -> memref<1x!tpu.dma_semaphore, #tpu.memory_space<semaphore_mem>>
    %dma_wait3A_171 = tpu.memref_squeeze %dma_wait3A_170 : memref<1x!tpu.dma_semaphore, #tpu.memory_space<semaphore_mem>> -> memref<!tpu.dma_semaphore, #tpu.memory_space<semaphore_mem>>
    %dma_wait3A_172 = arith.constant 0 : i32
    %dma_wait3A_173 = arith.constant 0 : i32
    %dma_wait3A_174 = tpu.memref_slice %arg5[%dma_wait3A_172, %dma_wait3A_173] : memref<819200x64xf32, #tpu.memory_space<hbm>> -> memref<96x64xf32, #tpu.memory_space<hbm>>
    %dma_wait3A_175 = arith.constant 0 : i32
    %dma_wait3A_176 = arith.constant 0 : i32
    %dma_wait3A_177 = tpu.memref_slice %arg9[%dma_wait3A_161, %dma_wait3A_175, %dma_wait3A_176] : memref<6x96x64xf32, #tpu.memory_space<vmem>> -> memref<1x96x64xf32, #tpu.memory_space<vmem>>
    %dma_wait3A_178 = tpu.memref_squeeze %dma_wait3A_177 : memref<1x96x64xf32, #tpu.memory_space<vmem>> -> memref<96x64xf32, #tpu.memory_space<vmem>>
    tpu.wait_dma2 semaphore(%dma_wait3A_171 : memref<!tpu.dma_semaphore, #tpu.memory_space<semaphore_mem>>) src(%dma_wait3A_178 : memref<96x64xf32, #tpu.memory_space<vmem>>) dst(%dma_wait3A_174 : memref<96x64xf32, #tpu.memory_space<hbm>>)
    %dma_wait3A_179 = arith.constant 4 : i32
    %dma_wait3A_180 = arith.constant 4 : i32
    %dma_wait3A_181 = arith.constant 0 : i32
    %dma_wait3A_182 = arith.constant 0 : i32
    %dma_wait3A_183 = tpu.memref_slice %arg8[%dma_wait3A_179, %dma_wait3A_181, %dma_wait3A_182] : memref<6x104x64xf32, #tpu.memory_space<vmem>> -> memref<1x104x64xf32, #tpu.memory_space<vmem>>
    %dma_wait3A_184 = tpu.memref_squeeze %dma_wait3A_183 : memref<1x104x64xf32, #tpu.memory_space<vmem>> -> memref<104x64xf32, #tpu.memory_space<vmem>>
    %dma_wait3A_185 = arith.constant 0 : i32
    %dma_wait3A_186 = arith.constant 0 : i32
    %dma_wait3A_187 = tpu.memref_slice %arg5[%dma_wait3A_185, %dma_wait3A_186] : memref<819200x64xf32, #tpu.memory_space<hbm>> -> memref<104x64xf32, #tpu.memory_space<hbm>>
    %dma_wait3A_188 = tpu.memref_slice %arg11[%dma_wait3A_180] : memref<6x!tpu.dma_semaphore, #tpu.memory_space<semaphore_mem>> -> memref<1x!tpu.dma_semaphore, #tpu.memory_space<semaphore_mem>>
    %dma_wait3A_189 = tpu.memref_squeeze %dma_wait3A_188 : memref<1x!tpu.dma_semaphore, #tpu.memory_space<semaphore_mem>> -> memref<!tpu.dma_semaphore, #tpu.memory_space<semaphore_mem>>
    %dma_wait3A_190 = arith.constant 0 : i32
    %dma_wait3A_191 = arith.constant 0 : i32
    %dma_wait3A_192 = tpu.memref_slice %arg5[%dma_wait3A_190, %dma_wait3A_191] : memref<819200x64xf32, #tpu.memory_space<hbm>> -> memref<104x64xf32, #tpu.memory_space<hbm>>
    %dma_wait3A_193 = arith.constant 0 : i32
    %dma_wait3A_194 = arith.constant 0 : i32
    %dma_wait3A_195 = tpu.memref_slice %arg8[%dma_wait3A_179, %dma_wait3A_193, %dma_wait3A_194] : memref<6x104x64xf32, #tpu.memory_space<vmem>> -> memref<1x104x64xf32, #tpu.memory_space<vmem>>
    %dma_wait3A_196 = tpu.memref_squeeze %dma_wait3A_195 : memref<1x104x64xf32, #tpu.memory_space<vmem>> -> memref<104x64xf32, #tpu.memory_space<vmem>>
    tpu.wait_dma2 semaphore(%dma_wait3A_189 : memref<!tpu.dma_semaphore, #tpu.memory_space<semaphore_mem>>) src(%dma_wait3A_196 : memref<104x64xf32, #tpu.memory_space<vmem>>) dst(%dma_wait3A_192 : memref<104x64xf32, #tpu.memory_space<hbm>>)
    %dma_wait3A_197 = arith.constant 4 : i32
    %dma_wait3A_198 = arith.constant 4 : i32
    %dma_wait3A_199 = arith.constant 0 : i32
    %dma_wait3A_200 = arith.constant 0 : i32
    %dma_wait3A_201 = tpu.memref_slice %arg9[%dma_wait3A_197, %dma_wait3A_199, %dma_wait3A_200] : memref<6x96x64xf32, #tpu.memory_space<vmem>> -> memref<1x96x64xf32, #tpu.memory_space<vmem>>
    %dma_wait3A_202 = tpu.memref_squeeze %dma_wait3A_201 : memref<1x96x64xf32, #tpu.memory_space<vmem>> -> memref<96x64xf32, #tpu.memory_space<vmem>>
    %dma_wait3A_203 = arith.constant 0 : i32
    %dma_wait3A_204 = arith.constant 0 : i32
    %dma_wait3A_205 = tpu.memref_slice %arg5[%dma_wait3A_203, %dma_wait3A_204] : memref<819200x64xf32, #tpu.memory_space<hbm>> -> memref<96x64xf32, #tpu.memory_space<hbm>>
    %dma_wait3A_206 = tpu.memref_slice %arg11[%dma_wait3A_198] : memref<6x!tpu.dma_semaphore, #tpu.memory_space<semaphore_mem>> -> memref<1x!tpu.dma_semaphore, #tpu.memory_space<semaphore_mem>>
    %dma_wait3A_207 = tpu.memref_squeeze %dma_wait3A_206 : memref<1x!tpu.dma_semaphore, #tpu.memory_space<semaphore_mem>> -> memref<!tpu.dma_semaphore, #tpu.memory_space<semaphore_mem>>
    %dma_wait3A_208 = arith.constant 0 : i32
    %dma_wait3A_209 = arith.constant 0 : i32
    %dma_wait3A_210 = tpu.memref_slice %arg5[%dma_wait3A_208, %dma_wait3A_209] : memref<819200x64xf32, #tpu.memory_space<hbm>> -> memref<96x64xf32, #tpu.memory_space<hbm>>
    %dma_wait3A_211 = arith.constant 0 : i32
    %dma_wait3A_212 = arith.constant 0 : i32
    %dma_wait3A_213 = tpu.memref_slice %arg9[%dma_wait3A_197, %dma_wait3A_211, %dma_wait3A_212] : memref<6x96x64xf32, #tpu.memory_space<vmem>> -> memref<1x96x64xf32, #tpu.memory_space<vmem>>
    %dma_wait3A_214 = tpu.memref_squeeze %dma_wait3A_213 : memref<1x96x64xf32, #tpu.memory_space<vmem>> -> memref<96x64xf32, #tpu.memory_space<vmem>>
    tpu.wait_dma2 semaphore(%dma_wait3A_207 : memref<!tpu.dma_semaphore, #tpu.memory_space<semaphore_mem>>) src(%dma_wait3A_214 : memref<96x64xf32, #tpu.memory_space<vmem>>) dst(%dma_wait3A_210 : memref<96x64xf32, #tpu.memory_space<hbm>>)
    %dma_wait3A_215 = arith.constant 5 : i32
    %dma_wait3A_216 = arith.constant 5 : i32
    %dma_wait3A_217 = arith.constant 0 : i32
    %dma_wait3A_218 = arith.constant 0 : i32
    %dma_wait3A_219 = tpu.memref_slice %arg8[%dma_wait3A_215, %dma_wait3A_217, %dma_wait3A_218] : memref<6x104x64xf32, #tpu.memory_space<vmem>> -> memref<1x104x64xf32, #tpu.memory_space<vmem>>
    %dma_wait3A_220 = tpu.memref_squeeze %dma_wait3A_219 : memref<1x104x64xf32, #tpu.memory_space<vmem>> -> memref<104x64xf32, #tpu.memory_space<vmem>>
    %dma_wait3A_221 = arith.constant 0 : i32
    %dma_wait3A_222 = arith.constant 0 : i32
    %dma_wait3A_223 = tpu.memref_slice %arg5[%dma_wait3A_221, %dma_wait3A_222] : memref<819200x64xf32, #tpu.memory_space<hbm>> -> memref<104x64xf32, #tpu.memory_space<hbm>>
    %dma_wait3A_224 = tpu.memref_slice %arg11[%dma_wait3A_216] : memref<6x!tpu.dma_semaphore, #tpu.memory_space<semaphore_mem>> -> memref<1x!tpu.dma_semaphore, #tpu.memory_space<semaphore_mem>>
    %dma_wait3A_225 = tpu.memref_squeeze %dma_wait3A_224 : memref<1x!tpu.dma_semaphore, #tpu.memory_space<semaphore_mem>> -> memref<!tpu.dma_semaphore, #tpu.memory_space<semaphore_mem>>
    %dma_wait3A_226 = arith.constant 0 : i32
    %dma_wait3A_227 = arith.constant 0 : i32
    %dma_wait3A_228 = tpu.memref_slice %arg5[%dma_wait3A_226, %dma_wait3A_227] : memref<819200x64xf32, #tpu.memory_space<hbm>> -> memref<104x64xf32, #tpu.memory_space<hbm>>
    %dma_wait3A_229 = arith.constant 0 : i32
    %dma_wait3A_230 = arith.constant 0 : i32
    %dma_wait3A_231 = tpu.memref_slice %arg8[%dma_wait3A_215, %dma_wait3A_229, %dma_wait3A_230] : memref<6x104x64xf32, #tpu.memory_space<vmem>> -> memref<1x104x64xf32, #tpu.memory_space<vmem>>
    %dma_wait3A_232 = tpu.memref_squeeze %dma_wait3A_231 : memref<1x104x64xf32, #tpu.memory_space<vmem>> -> memref<104x64xf32, #tpu.memory_space<vmem>>
    tpu.wait_dma2 semaphore(%dma_wait3A_225 : memref<!tpu.dma_semaphore, #tpu.memory_space<semaphore_mem>>) src(%dma_wait3A_232 : memref<104x64xf32, #tpu.memory_space<vmem>>) dst(%dma_wait3A_228 : memref<104x64xf32, #tpu.memory_space<hbm>>)
    %dma_wait3A_233 = arith.constant 5 : i32
    %dma_wait3A_234 = arith.constant 5 : i32
    %dma_wait3A_235 = arith.constant 0 : i32
    %dma_wait3A_236 = arith.constant 0 : i32
    %dma_wait3A_237 = tpu.memref_slice %arg9[%dma_wait3A_233, %dma_wait3A_235, %dma_wait3A_236] : memref<6x96x64xf32, #tpu.memory_space<vmem>> -> memref<1x96x64xf32, #tpu.memory_space<vmem>>
    %dma_wait3A_238 = tpu.memref_squeeze %dma_wait3A_237 : memref<1x96x64xf32, #tpu.memory_space<vmem>> -> memref<96x64xf32, #tpu.memory_space<vmem>>
    %dma_wait3A_239 = arith.constant 0 : i32
    %dma_wait3A_240 = arith.constant 0 : i32
    %dma_wait3A_241 = tpu.memref_slice %arg5[%dma_wait3A_239, %dma_wait3A_240] : memref<819200x64xf32, #tpu.memory_space<hbm>> -> memref<96x64xf32, #tpu.memory_space<hbm>>
    %dma_wait3A_242 = tpu.memref_slice %arg11[%dma_wait3A_234] : memref<6x!tpu.dma_semaphore, #tpu.memory_space<semaphore_mem>> -> memref<1x!tpu.dma_semaphore, #tpu.memory_space<semaphore_mem>>
    %dma_wait3A_243 = tpu.memref_squeeze %dma_wait3A_242 : memref<1x!tpu.dma_semaphore, #tpu.memory_space<semaphore_mem>> -> memref<!tpu.dma_semaphore, #tpu.memory_space<semaphore_mem>>
    %dma_wait3A_244 = arith.constant 0 : i32
    %dma_wait3A_245 = arith.constant 0 : i32
    %dma_wait3A_246 = tpu.memref_slice %arg5[%dma_wait3A_244, %dma_wait3A_245] : memref<819200x64xf32, #tpu.memory_space<hbm>> -> memref<96x64xf32, #tpu.memory_space<hbm>>
    %dma_wait3A_247 = arith.constant 0 : i32
    %dma_wait3A_248 = arith.constant 0 : i32
    %dma_wait3A_249 = tpu.memref_slice %arg9[%dma_wait3A_233, %dma_wait3A_247, %dma_wait3A_248] : memref<6x96x64xf32, #tpu.memory_space<vmem>> -> memref<1x96x64xf32, #tpu.memory_space<vmem>>
    %dma_wait3A_250 = tpu.memref_squeeze %dma_wait3A_249 : memref<1x96x64xf32, #tpu.memory_space<vmem>> -> memref<96x64xf32, #tpu.memory_space<vmem>>
    tpu.wait_dma2 semaphore(%dma_wait3A_243 : memref<!tpu.dma_semaphore, #tpu.memory_space<semaphore_mem>>) src(%dma_wait3A_250 : memref<96x64xf32, #tpu.memory_space<vmem>>) dst(%dma_wait3A_246 : memref<96x64xf32, #tpu.memory_space<hbm>>)
    return
  }
}

</mosaic_0001>

<sc_bundles>
// kernel: _emb.3.cloned.1.call-start
scs
__scs_entry_jumppad:
0x0: {  	(pc) =	sbr.rel $0x88, $3  }
0x1: {  	(tag) =	ssettag $0x0;
	lr =	simm.s32 $0x1  }
0x2: {  	[smem:$0x3F9E] =	sst lr;
	_ =	strace $0xD0000000  }
0x3: {  	_ = 	snop  }
0x4: {  	_ = 	snop  }
0x5: {  	_ = 	snop  }
0x6: {  	_ = 	snop  }
0x7: {  	_ = 	snop  }
__scs_overlays_trampoline_lowered:
0x8: {  	[smem:$0x3FAD] =	sst s0  }
0x9: {  	[smem:$0x3FAE] =	sst s1  }
0xa: {  	[smem:$0x3FAF] =	sst s2  }
0xb: {  	[smem:$0x3FB0] =	sst s3  }
0xc: {  	[smem:$0x3FB1] =	sst s4  }
0xd: {  	[smem:$0x3FB2] =	sst s5  }
0xe: {  	[smem:$0x3FB3] =	sst s6  }
0xf: {  	[smem:$0x3FB4] =	sst s7  }
0x10: {  	[smem:$0x3FB5] =	sst s8  }
0x11: {  	[smem:$0x3FB6] =	sst s9;
	s0 =	simm.s32 @!p0 $0x0  }
0x12: {  	s1 =	sld [smem:$0x3F9C];
	s0 =	simm.s32 @p0 $0x1  }
0x13: {  	[smem:$0x3FB7] =	sst s0;
	s0 =	simm.s32 @!p1 $0x0  }
0x14: {  	s2 =	sld [smem:$0x3F9B];
	s0 =	simm.s32 @p1 $0x1  }
0x15: {  	[smem:$0x3FB8] =	sst s0;
	s0 =	simm.s32 @!p2 $0x0  }
0x16: {  	s3 =	sld [smem:$0x3FDB];
	s0 =	simm.s32 @p2 $0x1  }
0x17: {  	s4 =	simm.s32 $0x1BF5;
	[smem:$0x3FBA] =	sst s0  }
0x18: {  	s0 =	sld [smem:$0x3F9D];
	_ =	swait.ge [sflag:s4], $0x0  }
0x19: {  	s7 =	sld [smem:$0x3F9E]  }
0x1a: {  	s8 =	sadd.s32 $0xFFFFE003, lr  }
0x1b: {  	s9 =	sadd.s32 $0xFFFFFEF7, lr;
	s5 =	simm.s32 $0xFFFFFFFF;
	p2 =	slt.u32 s8, $0xFFFFF086  }
0x1c: {  	p1 =	slt.u32 s9, $0xF7A;
	s5 =	simm.s32 @!p2 $0x0  }
0x1d: {  	s5 =	simm.s32 @p1 $0x1;
	p0 =	seq.s32 s7, s2  }
0x1e: {  	s7 =	smul.u32 @!p0 $0xF7A, s2;
	p2 =	seq.s32 @!p0 s5, $0x0  }
0x1f: {  	s9 =	smul.u32 $0xF7A, s1;
	s8 =	simm.s32 @!p0 $0x1BF5;
	p2 =	por !p2, p0  }
0x20: {  	[sflag:s8] =	ssyncset.s32 @!p0 $0xFFFFF086;
	s6 =	sadd.s32 @!p0 s3, s7;
	s7 =	simm.s32 @!p0 $0x108  }
0x21: {  	s3 =	sadd.s32 s3, s9;
	s6 =	sadd.s32 @!p0 $0x88, s6;
	s7 =	simm.s32 @p2 $0x1082  }
0x22: {  	[simem:s7], [sflag:s8] =	dma.local @!p0 [hbm:s6], $0xF7A  }
0x23: {  	s9 =	sor.u32 $0xD0000000, s2;
	s6 =	simm.s32 $0x108;
	_ =	swait.ge @!p0 [sflag:s8], $0x0  }
0x24: {  	s3 =	sadd.s32 $0x88, s3;
	s6 =	simm.s32 @!p1 $0x1082;
	[sflag:s4] =	ssyncset.s32 $0xFFFFF086  }
0x25: {  	[simem:s6], [sflag:s4] =	dma.local [hbm:s3], $0xF7A  }
0x26: {  	[smem:$0x3F9E] =	sst s1;
	(tag) =	ssettag s2;
	_ =	strace s9  }
0x27: {  	s1 =	sld [smem:$0x3FAE]  }
0x28: {  	s2 =	sld [smem:$0x3FAF]  }
0x29: {  	s4 =	sld [smem:$0x3FB1]  }
0x2a: {  	p0 =	seq.s32 s5, $0x0;
	s5 =	sld [smem:$0x3FB2]  }
0x2b: {  	s6 =	sld [smem:$0x3FB3]  }
0x2c: {  	s7 =	sld [smem:$0x3FB4]  }
0x2d: {  	s3 =	simm.s32 $0x108;
	s8 =	sld [smem:$0x3FB5]  }
0x2e: {  	s3 =	simm.s32 @!p0 $0x1082;
	s9 =	sld [smem:$0x3FB6]  }
0x2f: {  	lr =	sadd.s32 s0, s3;
	s0 =	sld [smem:$0x3FAD]  }
0x30: {  	s3 =	sld [smem:$0x3FB0]  }
0x31: {  	[smem:$0x3FB9] =	sst s10  }
0x32: {  	s10 =	sld [smem:$0x3FB7];
	_ =	sdelay $0x3  }
0x33: {  	p0 =	seq.s32 s10, $0x1;
	s10 =	sld [smem:$0x3FB9];
	_ =	sdelay $0x3  }
0x34: {  	[smem:$0x3FB9] =	sst s10  }
0x35: {  	s10 =	sld [smem:$0x3FB8];
	_ =	sdelay $0x3  }
0x36: {  	p1 =	seq.s32 s10, $0x1;
	s10 =	sld [smem:$0x3FB9];
	_ =	sdelay $0x3  }
0x37: {  	[smem:$0x3FB9] =	sst s10  }
0x38: {  	s10 =	sld [smem:$0x3FBA]  }
0x39: {  	_ = 	snop;
	(pc) =	sbr.ind lr, $3  }
0x3a: {  	_ = 	snop  }
0x3b: {  	_ = 	snop  }
0x3c: {  	p2 =	seq.s32 s10, $0x1;
	s10 =	sld [smem:$0x3FB9]  }
0x3d: {  	_ =	shalt  }
0x3e: {  	_ =	shalt  }
0x3f: {  	_ =	shalt  }
0x40: {  	_ =	shalt  }
0x41: {  	_ =	shalt  }
0x42: {  	_ =	shalt  }
0x43: {  	_ =	shalt  }
0x44: {  	_ =	shalt  }
0x45: {  	_ =	shalt  }
0x46: {  	_ =	shalt  }
0x47: {  	_ =	shalt  }
0x48: {  	_ =	shalt  }
0x49: {  	_ =	shalt  }
0x4a: {  	_ =	shalt  }
0x4b: {  	_ =	shalt  }
0x4c: {  	_ =	shalt  }
0x4d: {  	_ =	shalt  }
0x4e: {  	_ =	shalt  }
0x4f: {  	_ =	shalt  }
0x50: {  	_ =	shalt  }
0x51: {  	_ =	shalt  }
0x52: {  	_ =	shalt  }
0x53: {  	_ =	shalt  }
0x54: {  	_ =	shalt  }
0x55: {  	_ =	shalt  }
0x56: {  	_ =	shalt  }
0x57: {  	_ =	shalt  }
0x58: {  	_ =	shalt  }
0x59: {  	_ =	shalt  }
0x5a: {  	_ =	shalt  }
0x5b: {  	_ =	shalt  }
0x5c: {  	_ =	shalt  }
0x5d: {  	_ =	shalt  }
0x5e: {  	_ =	shalt  }
0x5f: {  	_ =	shalt  }
0x60: {  	_ =	shalt  }
0x61: {  	_ =	shalt  }
0x62: {  	_ =	shalt  }
0x63: {  	_ =	shalt  }
0x64: {  	_ =	shalt  }
0x65: {  	_ =	shalt  }
0x66: {  	_ =	shalt  }
0x67: {  	_ =	shalt  }
0x68: {  	_ =	shalt  }
0x69: {  	_ =	shalt  }
0x6a: {  	_ =	shalt  }
0x6b: {  	_ =	shalt  }
0x6c: {  	_ =	shalt  }
0x6d: {  	_ =	shalt  }
0x6e: {  	_ =	shalt  }
0x6f: {  	_ =	shalt  }
0x70: {  	_ =	shalt  }
0x71: {  	_ =	shalt  }
0x72: {  	_ =	shalt  }
0x73: {  	_ =	shalt  }
0x74: {  	_ =	shalt  }
0x75: {  	_ =	shalt  }
0x76: {  	_ =	shalt  }
0x77: {  	_ =	shalt  }
0x78: {  	_ =	shalt  }
0x79: {  	_ =	shalt  }
0x7a: {  	_ =	shalt  }
0x7b: {  	_ =	shalt  }
0x7c: {  	_ =	shalt  }
0x7d: {  	_ =	shalt  }
0x7e: {  	_ =	shalt  }
0x7f: {  	_ =	shalt  }
0x80: {  	_ =	shalt  }
0x81: {  	_ =	shalt  }
0x82: {  	_ =	shalt  }
0x83: {  	_ =	shalt  }
0x84: {  	_ =	shalt  }
0x85: {  	_ =	shalt  }
0x86: {  	_ =	shalt  }
0x87: {  	_ =	shalt  }
.Lfunc_end0:
.L_simem_size_0:
called_computation.1_lowered:
.L_overlay_start_0:
0x88: {  	s2 =	sld [smem:$0x3FD9]  }
0x89: {  	s3 =	sld [smem:$0x3FFE];
	_ =	sdelay $0x1  }
0x8a: {  	s1 =	srdreg.scid  }
0x8b: {  	s0 =	sand.u32 $0x1, s1  }
0x8c: {  	s17 =	sshll.u32 s0, $0xA;
	s2 =	sadd.s32 s3, s2  }
0x8d: {  	s2 =	sadd.s32 s2, s17  }
0x8e: {  	[smem:$0x3FC5] =	sst s2  }
0x8f: {  	_ = 	snop  }
0x90: {  	s2 =	sld [smem:$0x3FC9]  }
0x91: {  	s18 =	sld [smem:$0x3FD0];
	(tm) =	ssettm $0x1  }
0x92: {  	s4 =	sld [smem:$0x3FFB];
	_ =	sdelay $0x3  }
0x93: {  	_ =	strace s4  }
0x94: {  	s4 =	sld [smem:$0x3FFC];
	_ =	sdelay $0x3  }
0x95: {  	_ =	strace s4  }
0x96: {  	s4 =	sld [smem:$0x3FFD];
	_ =	sdelay $0x3  }
0x97: {  	_ =	strace s4  }
0x98: {  	_ =	strace $0x8FFFFFFF  }
0x99: {  	s19 =	sld [smem:$0x3FDB];
	_ =	sdelay $0x1  }
0x9a: {  	s5 =	simm.s32 $_scs_section_size  }
0x9b: {  	s6 =	simm.s32 $_size__tile_overlayer_lowered;
	s7 =	simm.s32 $_tile_overlayer_lowered  }
0x9c: {  	s22 =	simm.s32 $0x1BFF;
	s21 =	sshll.u32 s7, $0x1;
	s4 =	sadd.s32 s5, s19  }
0x9d: {  	s8 =	simm.s32 $0x0;
	s20 =	sshll.u32 s6, $0x1;
	s6 =	sadd.s32 s21, s4  }
0x9e: {  	[timem:s8], [sflag:s22] =	dma.local [hbm:s6], s20  }
0x9f: {  	_ =	swait.ge [sflag:s22], s20  }
0xa0: {  	s5 =	ssub.s32 $0x0, s20;
	[sflag:s22] =	ssyncset.done $0x0  }
0xa1: {  	[sflag:s22] =	ssyncadd.s32 s5;
	_ =	sdelay $0x1  }
0xa2: {  	s23 =	simm.s32 $0x1B8B  }
0xa3: {  	_ =	swait.ge [sflag:s23], $0x1  }
0xa4: {  	[sflag:s23] =	ssyncset.done $0x0  }
0xa5: {  	s25 =	simm.s32 $0x1B8E;
	s24 =	sld [smem:$0x3FFE];
	[sflag:s23] =	ssyncadd.s32 $0xFFFFFFFF  }
0xa6: {  	s26 =	simm.s32 $execute0_lowered;
	[smem:$0x3FD2] =	sst s25  }
0xa7: {  	s6 =	sshll.u32 s26, $0x1;
	_ =	strace $0x80000046;
	[dreg:$0x1] =	wrdreg $0xFFFFFFFF  }
0xa8: {  	s28 =	simm.s32 $_size_execute0_lowered;
	s4 =	sadd.s32 s4, s6;
	[dreg:$0x0] =	wrdreg $0x0  }
0xa9: {  	s6 =	sshll.u32 s28, $0x1;
	[dreg:$0x2] =	wrdreg s4  }
0xaa: {  	[dreg:$0x3] =	wrdreg s6  }
0xab: {  	[dreg:$0x4] =	wrdreg $0xC0  }
0xac: {  	_ =	task [dreg:s8], $0x5FFFF  }
0xad: {  	[dreg:$0x1] =	wrdreg $0xFFFFFFFF  }
0xae: {  	[dreg:$0x0] =	wrdreg $0x60  }
0xaf: {  	[dreg:$0x2] =	wrdreg s2  }
0xb0: {  	[dreg:$0x3] =	wrdreg s24  }
0xb1: {  	[dreg:$0x4] =	wrdreg s18  }
0xb2: {  	[dreg:$0x5] =	wrdreg $0x64000  }
0xb3: {  	[dreg:$0x6] =	wrdreg $0x9  }
0xb4: {  	_ =	task.clear_ibuf [dreg:s8], $0x7FFFF;
	_ =	strace $0x90000046  }
0xb5: {  	s29 =	simm.s32 $0x9;
	_ =	strace $0x80000048  }
0xb6: {  	_ =	swait.ge [sflag:s29], $0x1  }
0xb7: {  	[sflag:s29] =	ssyncadd.s32 $0xFFFFFFFF  }
0xb8: {  	_ =	strace $0x90000048  }
0xb9: {  	_ =	sfence  }
0xba: {  	s30 =	sld [smem:$0x0];
	_ =	sdelay $0x2  }
0xbb: {  	s31 =	sshll.u32 s1, $0xD;
	s1 =	sshrl.u32 s1, $0x2  }
0xbc: {  	s3 =	sand.u32 $0x4000, s31;
	s1 =	sadd.s32 s1, s30  }
0xbd: {  	s0 =	sor.u32 s3, s0;
	s1 =	sshll.u32 s1, $0x11  }
0xbe: {  	s0 =	sor.u32 s1, s0  }
0xbf: {  	s0 =	sadd.s32 $0x8F2B, s0  }
0xc0: {  	[sflag:s0] =	ssyncadd.remote.s32 $0x1  }
0xc1: {  	_ =	sfence.sel $0xFFFF  }
0xc2: {  	[dreg:$0x0] =	wrdreg $0xFFFFFFFF;
	(pc) =	sbr.abs _section_cstart, $3  }
0xc3: {  	[dreg:$0x1] =	wrdreg $0xFFFFFFFF  }
0xc4: {  	_ =	task.clear_ibuf [dreg:s8], $0x2FFFF;
	_ =	strace $0x9FFFFFFF  }
0xc5: {  	(tm) =	ssettm $0x7FFFFFFF  }
tec
execute0_lowered:
.L_overlay_start_1:
0x0: {  	(tag) =	ssettag $0x1  }
0x1: {  	s0 =	rddreg [dreg:$0x0]  }
0x2: {  	s4 =	rddreg [dreg:$0x1]  }
0x3: {  	s8 =	rddreg [dreg:$0x2]  }
0x4: {  	s1 =	rddreg [dreg:$0x3]  }
0x5: {  	s3 =	srdreg.scid;
	s9 =	stileid.u32;
	s2 =	simm.s32 $0x0  }
0x6: {  	s15 =	simm.s32 $0x7;
	s16 =	simm.s32 $0x8;
	s17 =	simm.s32 $0x9  }
0x7: {  	s18 =	simm.s32 $0xA;
	s19 =	simm.s32 $0xB;
	s20 =	simm.s32 $0xC  }
0x8: {  	s21 =	simm.s32 $0x0;
	s6 =	sand.u32 $0x1, s3;
	s29 =	sshll.u32 s9, $0x1  }
0x9: {  	[smem:$0x7FF] =	sst s2;
	s11 =	smul.u32 $0x64000, s9;
	p0 =	sne.s32 s9, $0x0  }
0xa: {  	s9 =	simm.s32 $0xD;
	s3 =	sor.u32 s6, s29;
	s7 =	ssub.s32 $0x2, s6  }
0xb: {  	_ =	strace $0x80000047;
	s5 =	smul.u32 $0x6400, s3;
	s10 =	sshrl.u32 s7, $0x1  }
0xc: {  	s3 =	sadd.s32 $0xF42E00, s4;
	s4 =	sadd.s32 $0xA00, s4;
	s7 =	ssub.s32 s7, s10  }
0xd: {  	[dreg:$0x5] =	wrdreg s4;
	s5 =	sshrl.u32 s5, $0x3;
	s31 =	smax.u32 s7, $0x1  }
0xe: {  	s30 =	smul.u32 $0x32000, s6;
	s0 =	sadd.s32 s0, s5;
	[dreg:$0x7] =	wrdreg s31  }
0xf: {  	s8 =	sadd.s32 s11, s8;
	[dreg:$0x6] =	wrdreg s0;
	s0 =	sshrl.u32 @!p0 s1, $0x3  }
0x10: {  	s6 =	sadd.s32 $0x1A00, s1;
	s8 =	sadd.s32 s30, s8;
	[dreg:$0x8] =	wrdreg s0  }
.LBB2_1:
0x11: {  	s0 =	rddreg [dreg:$0x6]  }
0x12: {  	[tilespmem:s2], [sflag:$0xD] =	stream.linear.gather [hbm4b:s0+s2], $0x6400, $0x38;
	[tilespmem:$0x19320] =	vst v63  }
0x13: {  	_ =	swait.ge [sflag:s9], $0x6400  }
0x14: {  	[sflag:s9] =	ssyncset.done $0x0;
	s4 =	rddreg [dreg:$0x5]  }
0x15: {  	s0 =	simm.s32 @!p0 $0x1C0D;
	s5 =	rddreg [dreg:$0x8];
	[sflag:s9] =	ssyncadd.s32 $0xFFFF9C00  }
0x16: {  	[spmem:s5], [sflag:s0] =	dma.local @!p0 [hbm:s4], $0x640  }
0x17: {  	s0 =	simm.s32 @!p0 $0xD  }
0x18: {  	_ =	swait.ge @!p0 [sflag:s0], $0x640  }
0x19: {  	s10 =	smul.u32 $0xAB, s2;
	[sflag:s0] =	ssyncset.done @!p0 $0x0  }
0x1a: {  	[sflag:s0] =	ssyncadd.s32 @!p0 $0xFFFFF9C0  }
0x1b: {  	s24 =	simm.s32 $0x6720;
	s22 =	sadd.s32 $0xAB, s10;
	[bflag:$0x0] =	sbarrier.arrive $0xFFFF  }
0x1c: {  	[tilespmem:s24], [sflag:$0xD] =	stream.linear.gather [spmem:s1], $0x1A00, $0x38;
	[tilespmem:$0x19320] =	vst v63  }
0x1d: {  	s25 =	simm.s32 $0x10320;
	s22 =	sshrl.u32 s22, $0xA;
	_ =	swait.ge [sflag:s9], $0x1A00  }
0x1e: {  	s26 =	simm.s32 $0x68;
	s22 =	sand.u32 $0x3F, s22;
	[sflag:s9] =	ssyncset.done $0x0  }
0x1f: {  	s7 =	simm.s32 $0x60;
	s22 =	smul.u32 $0x6, s22;
	[sflag:s9] =	ssyncadd.s32 $0xFFFFE600  }
0x20: {  	[tilespmem:s25], [sflag:$0xD] =	stream.linear.gather [spmem:s6], $0x1800, $0x38;
	[tilespmem:$0x19320] =	vst v63  }
0x21: {  	p1 =	por $0x0, $0x0;
	s30 =	simm.s32 $0x1;
	_ =	swait.ge [sflag:s9], $0x1800  }
0x22: {  	p2 =	por @!p1 $0x1, $0x1;
	s22 =	ssub.s32 $0x1, s22;
	[sflag:s9] =	ssyncset.done $0x0  }
0x23: {  	p2 =	por p2, p1;
	s22 =	sand.u32 $0xFF, s22;
	[sflag:s9] =	ssyncadd.s32 $0xFFFFE800  }
0x24: {  	[tilespmem:s24], [sflag:$0x1] =	stream.indirect.gather.add.f32 [hbm:s3], $0x40, s2, s26, $0xb8;
	[tilespmem:$0x19320] =	vst v63  }
0x25: {  	s30 =	smul.u32 $0xAB, s30;
	p1 =	por p1, p1;
	s23 =	sadd.s32 @!p2 $0x7, s22  }
0x26: {  	[tilespmem:s25], [sflag:$0x1] =	stream.indirect.gather.add.f32 [hbm:s3], $0x40, s26, s7, $0xb8;
	[tilespmem:$0x19320] =	vst v63  }
0x27: {  	s12 =	sshrl.u32 s30, $0xA;
	s30 =	sadd.s32 $0xAB, s30;
	_ =	swait.ge @!p2 [sflag:s23], $0x1A00  }
0x28: {  	s28 =	simm.s32 @!p1 $0xD;
	s30 =	sshrl.u32 s30, $0xA;
	[sflag:s23] =	ssyncset.done @!p2 $0x0  }
0x29: {  	s0 =	sshrl.u32 s10, $0xA;
	s24 =	smul.u32 @!p1 $0x6800, s22;
	[sflag:s23] =	ssyncadd.s32 @!p2 $0xFFFFE600  }
0x2a: {  	s30 =	sand.u32 $0x3F, s30;
	s0 =	sand.u32 $0x3F, s0;
	_ =	swait.ge @!p2 [sflag:s23], $0x1800  }
0x2b: {  	s0 =	smul.u32 $0x6, s0;
	s24 =	sshrl.u32 @!p1 s24, $0x2;
	[sflag:s23] =	ssyncset.done @!p2 $0x0  }
0x2c: {  	s25 =	smul.u32 @!p1 $0x6000, s22;
	s26 =	sadd.s32 @!p1 $0x6720, s24;
	[sflag:s23] =	ssyncadd.s32 @!p2 $0xFFFFE800  }
0x2d: {  	[tilespmem:s26], [sflag:$0xD] =	stream.linear.gather @!p1 [spmem:s1], $0x1A00, $0x38;
	[tilespmem:$0x19320] =	vst v63  }
0x2e: {  	s29 =	simm.s32 $0xC8;
	s13 =	smul.u32 $0x6, s30;
	_ =	swait.ge @!p1 [sflag:s28], $0x1A00  }
0x2f: {  	s0 =	ssub.s32 $0x0, s0;
	s23 =	sshrl.u32 @!p1 s25, $0x2;
	[sflag:s28] =	ssyncset.done @!p1 $0x0  }
0x30: {  	s0 =	sand.u32 $0xFF, s0;
	s31 =	sadd.s32 @!p1 $0x10320, s23;
	[sflag:s28] =	ssyncadd.s32 @!p1 $0xFFFFE600  }
0x31: {  	[tilespmem:s31], [sflag:$0xD] =	stream.linear.gather @!p1 [spmem:s6], $0x1800, $0x38;
	[tilespmem:$0x19320] =	vst v63  }
0x32: {  	p3 =	por $0x0, $0x0;
	s11 =	smul.u32 $0x6000, s0;
	_ =	swait.ge @!p1 [sflag:s28], $0x1800  }
0x33: {  	s14 =	sadd.s32 $0x1, s0;
	s22 =	sadd.s32 @!p1 $0x1, s22;
	[sflag:s28] =	ssyncset.done @!p1 $0x0  }
0x34: {  	s24 =	simm.s32 $0x2;
	[sflag:s28] =	ssyncadd.s32 @!p1 $0xFFFFE800;
	s28 =	simm.s32 @!p1 $0x68  }
0x35: {  	[tilespmem:s26], [sflag:s22] =	stream.indirect.gather.add.f32 @!p1 [hbm:s3], $0x40, s29, s28, $0xb8;
	[tilespmem:$0x19320] =	vst v63  }
0x36: {  	s25 =	sadd.s32 $0x340, s8;
	s26 =	simm.s32 @!p1 $0x60;
	s28 =	simm.s32 @!p1 $0x130  }
0x37: {  	[tilespmem:s31], [sflag:s22] =	stream.indirect.gather.add.f32 @!p1 [hbm:s3], $0x40, s28, s26, $0xb8;
	[tilespmem:$0x19320] =	vst v63  }
0x38: {  	s23 =	simm.s32 $0x190;
	s29 =	smul.u32 $0x6800, s0;
	s22 =	sadd.s32 $0x640, s8  }
0x39: {  	s28 =	sadd.s32 $0x7, s0;
	p1 =	por @!p3 $0x1, $0x1;
	_ =	swait.ge [sflag:s14], $0x1A00  }
0x3a: {  	s29 =	sshrl.u32 s29, $0x2;
	s0 =	sand.u32 $0x3F, s12;
	[sflag:s14] =	ssyncset.done $0x0  }
0x3b: {  	s31 =	sshrl.u32 s11, $0x2;
	s0 =	smul.u32 $0x6, s0;
	[sflag:s14] =	ssyncadd.s32 $0xFFFFE600  }
0x3c: {  	p1 =	por p1, p3;
	s30 =	sadd.s32 $0x6720, s29;
	_ =	swait.ge [sflag:s14], $0x1800  }
0x3d: {  	s29 =	smov.u32 s8;
	s0 =	ssub.s32 $0x1, s0;
	[sflag:s14] =	ssyncset.done $0x0  }
0x3e: {  	s26 =	sand.u32 $0xFF, s0;
	s0 =	ssub.s32 $0x2, s13;
	[sflag:s14] =	ssyncadd.s32 $0xFFFFE800  }
.LBB2_2:
0x3f: {  	[hbm4b:s29+s2] =	stream.linear.scatter [tilespmem:s30], [sflag:s28], $0x1A00, $0x38;
	[tilespmem:$0x19320] =	vst v63  }
0x40: {  	s30 =	smov.u32 s24  }
0x41: {  	s4 =	smov.u32 s23;
	s29 =	smov.u32 s22;
	p4 =	por p3, p3  }
0x42: {  	s24 =	sadd.s32 $0x1, s24;
	s0 =	sand.u32 $0xFF, s0;
	s14 =	sadd.s32 $0x10320, s31  }
0x43: {  	p2 =	sne.s32 s24, $0x80;
	s31 =	sadd.s32 @!p1 $0x7, s0;
	s5 =	smul.u32 @!p4 $0x6800, s0  }
0x44: {  	[hbm4b:s25+s2] =	stream.linear.scatter [tilespmem:s14], [sflag:s28], $0x1800, $0x38;
	[tilespmem:$0x19320] =	vst v63  }
0x45: {  	s5 =	sshrl.u32 @!p4 s5, $0x2;
	s14 =	smul.u32 @!p4 $0x6000, s0;
	_ =	swait.ge @!p1 [sflag:s31], $0x1A00  }
0x46: {  	[sflag:s31] =	ssyncset.done @!p1 $0x0  }
0x47: {  	s14 =	sshrl.u32 @!p4 s14, $0x2;
	[sflag:s31] =	ssyncadd.s32 @!p1 $0xFFFFE600  }
0x48: {  	_ =	swait.ge @!p1 [sflag:s31], $0x1800  }
0x49: {  	s23 =	sadd.s32 $0xC8, s23;
	s25 =	sadd.s32 $0x340, s22;
	[sflag:s31] =	ssyncset.done @!p1 $0x0  }
0x4a: {  	s5 =	sadd.s32 @!p4 $0x6720, s5;
	[sflag:s31] =	ssyncadd.s32 @!p1 $0xFFFFE800;
	s31 =	simm.s32 @!p4 $0xD  }
0x4b: {  	[tilespmem:s5], [sflag:$0xD] =	stream.linear.gather @!p4 [spmem:s1], $0x1A00, $0x38;
	[tilespmem:$0x19320] =	vst v63  }
0x4c: {  	s7 =	simm.s32 @!p4 $0x60;
	s22 =	sadd.s32 $0x640, s22;
	_ =	swait.ge @!p4 [sflag:s31], $0x1A00  }
0x4d: {  	s11 =	sadd.s32 @!p4 $0x68, s4;
	s28 =	sadd.s32 $0x7, s26;
	[sflag:s31] =	ssyncset.done @!p4 $0x0  }
0x4e: {  	s12 =	simm.s32 @!p4 $0x68;
	s14 =	sadd.s32 @!p4 $0x10320, s14;
	[sflag:s31] =	ssyncadd.s32 @!p4 $0xFFFFE600  }
0x4f: {  	[tilespmem:s14], [sflag:$0xD] =	stream.linear.gather @!p4 [spmem:s6], $0x1800, $0x38;
	[tilespmem:$0x19320] =	vst v63  }
0x50: {  	s13 =	smul.u32 $0x6800, s26;
	s0 =	sadd.s32 @!p4 $0x1, s0;
	_ =	swait.ge @!p4 [sflag:s31], $0x1800  }
0x51: {  	s10 =	smul.u32 $0x6000, s26;
	p3 =	seq.s32 s30, $0x7F;
	[sflag:s31] =	ssyncset.done @!p4 $0x0  }
0x52: {  	s13 =	sshrl.u32 s13, $0x2;
	p1 =	slt.u32 @!p3 s30, $0x5;
	[sflag:s31] =	ssyncadd.s32 @!p4 $0xFFFFE800  }
0x53: {  	[tilespmem:s5], [sflag:s0] =	stream.indirect.gather.add.f32 @!p4 [hbm:s3], $0x40, s4, s12, $0xb8;
	[tilespmem:$0x19320] =	vst v63  }
0x54: {  	p1 =	por p1, p3;
	s4 =	smul.u32 $0xAB, s30;
	s5 =	sadd.s32 $0x1, s26  }
0x55: {  	[tilespmem:s14], [sflag:s0] =	stream.indirect.gather.add.f32 @!p4 [hbm:s3], $0x40, s11, s7, $0xb8;
	[tilespmem:$0x19320] =	vst v63  }
0x56: {  	s0 =	sshrl.u32 s4, $0xA  }
0x57: {  	s4 =	sadd.s32 $0xAB, s4;
	_ =	swait.ge [sflag:s5], $0x1A00;
	s0 =	sand.u32 $0x3F, s0  }
.Ltmp0:
0x58: {  	s4 =	sshrl.u32 s4, $0xA;
	[sflag:s5] =	ssyncset.done $0x0;
	(pc) =	sbr.rel @p2 .LBB2_2-.Ltmp0, $4  }
0x59: {  	s0 =	smul.u32 $0x6, s0;
	s4 =	sand.u32 $0x3F, s4;
	[sflag:s5] =	ssyncadd.s32 $0xFFFFE600  }
0x5a: {  	s31 =	sshrl.u32 s10, $0x2;
	s4 =	smul.u32 $0x6, s4;
	_ =	swait.ge [sflag:s5], $0x1800  }
0x5b: {  	s0 =	ssub.s32 s30, s0;
	s30 =	sadd.s32 $0x6720, s13;
	[sflag:s5] =	ssyncset.done $0x0  }
0x5c: {  	s26 =	sand.u32 $0xFF, s0;
	s0 =	ssub.s32 s24, s4;
	[sflag:s5] =	ssyncadd.s32 $0xFFFFE800  }
0x5d: {  	[hbm4b:s29+s2] =	stream.linear.scatter [tilespmem:s30], [sflag:s28], $0x1A00, $0x38;
	[tilespmem:$0x19320] =	vst v63  }
0x5e: {  	s0 =	sand.u32 $0xFF, s0  }
0x5f: {  	s4 =	sadd.s32 $0x10320, s31;
	s5 =	sadd.s32 @!p1 $0x7, s0  }
0x60: {  	[hbm4b:s25+s2] =	stream.linear.scatter [tilespmem:s4], [sflag:s28], $0x1800, $0x38;
	[tilespmem:$0x19320] =	vst v63  }
0x61: {  	_ =	swait.ge @!p1 [sflag:s5], $0x1A00  }
0x62: {  	p2 =	por p3, p3;
	[sflag:s5] =	ssyncset.done @!p1 $0x0  }
0x63: {  	s4 =	smul.u32 @!p2 $0x6800, s0;
	[sflag:s5] =	ssyncadd.s32 @!p1 $0xFFFFE600  }
0x64: {  	_ =	swait.ge @!p1 [sflag:s5], $0x1800  }
0x65: {  	s7 =	smul.u32 @!p2 $0x6000, s0;
	s4 =	sshrl.u32 @!p2 s4, $0x2;
	[sflag:s5] =	ssyncset.done @!p1 $0x0  }
0x66: {  	s4 =	sadd.s32 @!p2 $0x6720, s4;
	[sflag:s5] =	ssyncadd.s32 @!p1 $0xFFFFE800;
	s5 =	simm.s32 @!p2 $0xD  }
0x67: {  	[tilespmem:s4], [sflag:$0xD] =	stream.linear.gather @!p2 [spmem:s1], $0x1A00, $0x38;
	[tilespmem:$0x19320] =	vst v63  }
0x68: {  	_ =	swait.ge @!p2 [sflag:s5], $0x1A00  }
0x69: {  	s7 =	sshrl.u32 @!p2 s7, $0x2;
	[sflag:s5] =	ssyncset.done @!p2 $0x0  }
0x6a: {  	s7 =	sadd.s32 @!p2 $0x10320, s7;
	[sflag:s5] =	ssyncadd.s32 @!p2 $0xFFFFE600  }
0x6b: {  	[tilespmem:s7], [sflag:$0xD] =	stream.linear.gather @!p2 [spmem:s6], $0x1800, $0x38;
	[tilespmem:$0x19320] =	vst v63  }
0x6c: {  	_ =	swait.ge @!p2 [sflag:s5], $0x1800  }
0x6d: {  	[sflag:s5] =	ssyncset.done @!p2 $0x0  }
0x6e: {  	s10 =	simm.s32 @!p2 $0x68;
	s0 =	sadd.s32 @!p2 $0x1, s0;
	[sflag:s5] =	ssyncadd.s32 @!p2 $0xFFFFE800  }
0x6f: {  	[tilespmem:s4], [sflag:s0] =	stream.indirect.gather.add.f32 @!p2 [hbm:s3], $0x40, s23, s10, $0xb8;
	[tilespmem:$0x19320] =	vst v63  }
0x70: {  	s24 =	sadd.s32 $0x1, s26;
	s5 =	sadd.s32 @!p2 $0x68, s23;
	s4 =	simm.s32 @!p2 $0x60  }
0x71: {  	[tilespmem:s7], [sflag:s0] =	stream.indirect.gather.add.f32 @!p2 [hbm:s3], $0x40, s5, s4, $0xb8;
	[tilespmem:$0x19320] =	vst v63  }
0x72: {  	_ =	swait.ge [sflag:s24], $0x1A00  }
0x73: {  	[sflag:s24] =	ssyncset.done $0x0  }
0x74: {  	s25 =	smul.u32 $0x6800, s26;
	[sflag:s24] =	ssyncadd.s32 $0xFFFFE600  }
0x75: {  	s28 =	smul.u32 $0x6000, s26;
	_ =	swait.ge [sflag:s24], $0x1800  }
0x76: {  	s29 =	sadd.s32 $0x7, s26;
	s0 =	sshrl.u32 s25, $0x2;
	[sflag:s24] =	ssyncset.done $0x0  }
0x77: {  	s4 =	sshrl.u32 s28, $0x2;
	s0 =	sadd.s32 $0x6720, s0;
	[sflag:s24] =	ssyncadd.s32 $0xFFFFE800  }
0x78: {  	[hbm4b:s22+s2] =	stream.linear.scatter [tilespmem:s0], [sflag:s29], $0x1A00, $0x38;
	[tilespmem:$0x19320] =	vst v63  }
0x79: {  	s30 =	sadd.s32 $0x340, s22;
	s4 =	sadd.s32 $0x10320, s4  }
0x7a: {  	[hbm4b:s30+s2] =	stream.linear.scatter [tilespmem:s4], [sflag:s29], $0x1800, $0x38;
	[tilespmem:$0x19320] =	vst v63  }
0x7b: {  	_ =	swait.ge [sflag:s15], $0x1A00  }
0x7c: {  	[sflag:s15] =	ssyncset.done $0x0  }
0x7d: {  	[sflag:s15] =	ssyncadd.s32 $0xFFFFE600  }
0x7e: {  	_ =	swait.ge [sflag:s15], $0x1800  }
0x7f: {  	[sflag:s15] =	ssyncset.done $0x0  }
0x80: {  	[sflag:s15] =	ssyncadd.s32 $0xFFFFE800  }
0x81: {  	_ =	swait.ge [sflag:s16], $0x1A00  }
0x82: {  	[sflag:s16] =	ssyncset.done $0x0  }
0x83: {  	[sflag:s16] =	ssyncadd.s32 $0xFFFFE600  }
0x84: {  	_ =	swait.ge [sflag:s16], $0x1800  }
0x85: {  	[sflag:s16] =	ssyncset.done $0x0  }
0x86: {  	[sflag:s16] =	ssyncadd.s32 $0xFFFFE800  }
0x87: {  	_ =	swait.ge [sflag:s17], $0x1A00  }
0x88: {  	[sflag:s17] =	ssyncset.done $0x0  }
0x89: {  	[sflag:s17] =	ssyncadd.s32 $0xFFFFE600  }
0x8a: {  	_ =	swait.ge [sflag:s17], $0x1800  }
0x8b: {  	[sflag:s17] =	ssyncset.done $0x0  }
0x8c: {  	[sflag:s17] =	ssyncadd.s32 $0xFFFFE800  }
0x8d: {  	_ =	swait.ge [sflag:s18], $0x1A00  }
0x8e: {  	[sflag:s18] =	ssyncset.done $0x0  }
0x8f: {  	[sflag:s18] =	ssyncadd.s32 $0xFFFFE600  }
0x90: {  	_ =	swait.ge [sflag:s18], $0x1800  }
0x91: {  	[sflag:s18] =	ssyncset.done $0x0  }
0x92: {  	[sflag:s18] =	ssyncadd.s32 $0xFFFFE800  }
0x93: {  	_ =	swait.ge [sflag:s19], $0x1A00  }
0x94: {  	[sflag:s19] =	ssyncset.done $0x0  }
0x95: {  	[sflag:s19] =	ssyncadd.s32 $0xFFFFE600  }
0x96: {  	_ =	swait.ge [sflag:s19], $0x1800  }
0x97: {  	[sflag:s19] =	ssyncset.done $0x0  }
0x98: {  	[sflag:s19] =	ssyncadd.s32 $0xFFFFE800  }
0x99: {  	_ =	swait.ge [sflag:s20], $0x1A00  }
0x9a: {  	[sflag:s20] =	ssyncset.done $0x0  }
0x9b: {  	[sflag:s20] =	ssyncadd.s32 $0xFFFFE600  }
0x9c: {  	_ =	swait.ge [sflag:s20], $0x1800  }
0x9d: {  	s21 =	sadd.s32 $0x1, s21;
	s31 =	rddreg [dreg:$0x7]  }
0x9e: {  	p1 =	sne.s32 s21, s31  }
.Ltmp1:
0x9f: {  	_ = 	snop;
	(pc) =	sbr.rel @p1 .LBB2_1-.Ltmp1, $3  }
0xa0: {  	_ =	sdelay $0x1  }
0xa1: {  	[sflag:s20] =	ssyncset.done $0x0  }
0xa2: {  	[sflag:s20] =	ssyncadd.s32 $0xFFFFE800  }
0xa3: {  	_ =	sfence.sel $0x180000  }
0xa4: {  	[bflag:$0x0] =	sbarrier.arrive $0xFFFF  }
0xa5: {  	_ =	strace $0x90000047  }
0xa6: {  	[bflag:$0x2] =	sbarrier.arrive $0xFFFF  }
0xa7: {  	s0 =	rddreg [dreg:$0x4]  }
0xa8: {  	s0 =	sadd.s32 @!p0 $0x100000, s0  }
0xa9: {  	[sflag:s0] =	ssyncadd.tile.s32 @!p0 $0x1;
	_ =	shalt  }
.Lfunc_end2:
_tile_overlayer_lowered:
.L_overlay_start_2:
0xaa: {  	(tag) =	ssettag $0x2  }
0xab: {  	s0 =	rddreg [dreg:$0x0];
	s2 =	stileid.u32  }
0xac: {  	s1 =	rddreg [dreg:$0x1];
	p0 =	sne.s32 s2, $0x0  }
0xad: {  	s3 =	rddreg [dreg:$0x2];
	[bflag:$0x3] =	sbarrier.arrive $0xFFFF;
	s2 =	simm.s32 @!p0 $0x1C0D  }
0xae: {  	[timem:s3], [sflag:s2] =	dma.local @!p0 [hbm:s0], s1  }
0xaf: {  	s0 =	simm.s32 @!p0 $0xD  }
0xb0: {  	_ =	swait.ge @!p0 [sflag:s0], s1  }
0xb1: {  	s1 =	ssub.s32 @!p0 $0x0, s1;
	[sflag:s0] =	ssyncset.done @!p0 $0x0  }
0xb2: {  	[sflag:s0] =	ssyncadd.s32 @!p0 s1  }
0xb3: {  	[bflag:$0x3] =	sbarrier.arrive $0xFFFF  }
0xb4: {  	_ =	shalt  }

// kernel: sparse-core-data-format-call.cloned.1.call-start
scs
called_computation_lowered:
.L_overlay_start_0:
0x0: {  	s2 =	sld [smem:$0x3FD9]  }
0x1: {  	s3 =	sld [smem:$0x3FFE];
	_ =	sdelay $0x1  }
0x2: {  	s1 =	srdreg.scid  }
0x3: {  	s0 =	sand.u32 $0x1, s1  }
0x4: {  	s18 =	sshll.u32 s0, $0xA;
	s2 =	sadd.s32 s3, s2  }
0x5: {  	s2 =	sadd.s32 s2, s18  }
0x6: {  	[smem:$0x3FC5] =	sst s2  }
0x7: {  	_ = 	snop  }
0x8: {  	s2 =	sld [smem:$0x3FD0];
	(tm) =	ssettm $0x1  }
0x9: {  	s19 =	sld [smem:$0x3FFB];
	_ =	sdelay $0x3  }
0xa: {  	_ =	strace s19  }
0xb: {  	s3 =	sld [smem:$0x3FFC];
	_ =	sdelay $0x3  }
0xc: {  	_ =	strace s3  }
0xd: {  	s3 =	sld [smem:$0x3FFD];
	_ =	sdelay $0x3  }
0xe: {  	_ =	strace s3  }
0xf: {  	_ =	strace $0x8FFFFFFF  }
0x10: {  	s20 =	sld [smem:$0x3FDB];
	_ =	sdelay $0x1  }
0x11: {  	s4 =	simm.s32 $_scs_section_size  }
0x12: {  	s5 =	simm.s32 $_size__tile_overlayer_lowered;
	s6 =	simm.s32 $_tile_overlayer_lowered  }
0x13: {  	s23 =	simm.s32 $0x1BFF;
	s22 =	sshll.u32 s6, $0x1;
	s3 =	sadd.s32 s4, s20  }
0x14: {  	s7 =	simm.s32 $0x0;
	s21 =	sshll.u32 s5, $0x1;
	s5 =	sadd.s32 s22, s3  }
0x15: {  	[timem:s7], [sflag:s23] =	dma.local [hbm:s5], s21  }
0x16: {  	_ =	swait.ge [sflag:s23], s21  }
0x17: {  	s4 =	ssub.s32 $0x0, s21;
	[sflag:s23] =	ssyncset.done $0x0  }
0x18: {  	[sflag:s23] =	ssyncadd.s32 s4;
	_ =	sdelay $0x1  }
0x19: {  	s24 =	simm.s32 $0x1B8B  }
0x1a: {  	_ =	swait.ge [sflag:s24], $0x1  }
0x1b: {  	[sflag:s24] =	ssyncset.done $0x0  }
0x1c: {  	s26 =	simm.s32 $0x1B8E;
	s25 =	sld [smem:$0x3FFE];
	[sflag:s24] =	ssyncadd.s32 $0xFFFFFFFF  }
0x1d: {  	s27 =	simm.s32 $execute0_lowered;
	[smem:$0x3FD2] =	sst s26  }
0x1e: {  	s5 =	sshll.u32 s27, $0x1;
	_ =	strace $0x80000049;
	[dreg:$0x1] =	wrdreg $0xFFFFFFFF  }
0x1f: {  	s28 =	simm.s32 $_size_execute0_lowered;
	s3 =	sadd.s32 s3, s5;
	[dreg:$0x0] =	wrdreg $0x0  }
0x20: {  	s5 =	sshll.u32 s28, $0x1;
	[dreg:$0x2] =	wrdreg s3  }
0x21: {  	[dreg:$0x3] =	wrdreg s5  }
0x22: {  	[dreg:$0x4] =	wrdreg $0xC0  }
0x23: {  	_ =	task [dreg:s7], $0x5FFFF  }
0x24: {  	[dreg:$0x1] =	wrdreg $0xFFFFFFFF  }
0x25: {  	[dreg:$0x0] =	wrdreg $0x60  }
0x26: {  	[dreg:$0x2] =	wrdreg s25  }
0x27: {  	[dreg:$0x3] =	wrdreg s2  }
0x28: {  	[dreg:$0x4] =	wrdreg $0x9  }
0x29: {  	_ =	task.clear_ibuf [dreg:s7], $0x5FFFF;
	_ =	strace $0x90000049  }
0x2a: {  	s29 =	simm.s32 $0x9;
	_ =	strace $0x8000004B  }
0x2b: {  	_ =	swait.ge [sflag:s29], $0x1  }
0x2c: {  	[sflag:s29] =	ssyncadd.s32 $0xFFFFFFFF  }
0x2d: {  	_ =	strace $0x9000004B  }
0x2e: {  	_ =	sfence  }
0x2f: {  	s30 =	sld [smem:$0x0];
	_ =	sdelay $0x2  }
0x30: {  	s31 =	sshll.u32 s1, $0xD;
	s1 =	sshrl.u32 s1, $0x2  }
0x31: {  	s3 =	sand.u32 $0x4000, s31;
	s1 =	sadd.s32 s1, s30  }
0x32: {  	s0 =	sor.u32 s3, s0;
	s1 =	sshll.u32 s1, $0x11  }
0x33: {  	s0 =	sor.u32 s1, s0  }
0x34: {  	s0 =	sadd.s32 $0x8F2B, s0  }
0x35: {  	[sflag:s0] =	ssyncadd.remote.s32 $0x1  }
0x36: {  	_ =	sfence.sel $0xFFFF  }
0x37: {  	[dreg:$0x0] =	wrdreg $0xFFFFFFFF;
	(pc) =	sbr.abs _section_cstart, $3  }
0x38: {  	[dreg:$0x1] =	wrdreg $0xFFFFFFFF  }
0x39: {  	_ =	task.clear_ibuf [dreg:s7], $0x2FFFF;
	_ =	strace $0x9FFFFFFF  }
0x3a: {  	(tm) =	ssettm $0x7FFFFFFF  }
0x3b: {  	_ =	shalt  }
tec
execute0_lowered:
.L_overlay_start_1:
0x0: {  	(tag) =	ssettag $0x1  }
0x1: {  	s0 =	srdreg.scid  }
0x2: {  	s1 =	sshll.u32 s0, $0x4  }
0x3: {  	s4 =	rddreg [dreg:$0x0];
	s0 =	stileid.u32;
	s1 =	sand.u32 $0x10, s1  }
0x4: {  	s2 =	rddreg [dreg:$0x1];
	s7 =	simm.s32 $0x1;
	s1 =	sor.u32 s0, s1  }
0x5: {  	s8 =	simm.s32 $0x2;
	s11 =	simm.s32 $0x0;
	s3 =	sshll.u32 s1, $0x7  }
0x6: {  	s10 =	simm.s32 $0x0;
	s4 =	sadd.s32 $0xA00, s4;
	s6 =	ssub.s32 $0xC8000, s3  }
.Ltmp0:
0x7: {  	s1 =	rddreg [dreg:$0x2];
	s5 =	sand.u32 $0xF80, s6;
	(pc) =	sbr.rel .LBB1_1-.Ltmp0, $4  }
0x8: {  	_ =	strace $0x8000004A;
	s9 =	smov.u32 s3;
	p0 =	sne.s32 s5, $0x0  }
0x9: {  	s6 =	sshrl.u32 s6, $0xC;
	s5 =	simm.s32 $0x1;
	s7 =	simm.s32 @!p0 $0x0  }
0xa: {  	[sflag:s5] =	ssyncpa.u1 $0x0;
	p0 =	por $0x0, $0x0;
	s6 =	sadd.s32 s7, s6  }
0xb: {  	[sflag:s8] =	ssyncpa.u1 $0x0;
	s8 =	simm.s32 $0x640000;
	s7 =	sadd.s32 $0x1, s6  }
.LBB1_4:
0xc: {  	s14 =	sshll.u32 s11, $0x3  }
0xd: {  	s30 =	sand.u32 $0x7F, s11;
	s15 =	sand.u32 $0xFFFFFC00, s14  }
0xe: {  	s11 =	sor.u32 s30, s15  }
0xf: {  	s15 =	smulhi.u32 $0x51EB851F, s11  }
0x10: {  	s14 =	smulhi.u32 $0x51EB851F, s14  }
0x11: {  	s15 =	sshrl.u32 s15, $0x12  }
0x12: {  	s14 =	sshrl.u32 s14, $0x12;
	s15 =	smul.u32 $0xC8000, s15  }
0x13: {  	s14 =	sand.u32 $0x3F, s14  }
0x14: {  	s14 =	smul.u32 $0x19000, s14;
	s11 =	ssub.s32 s11, s15  }
0x15: {  	[tilespmem:s13+$0x810 ss:$0x81] =	vst.msk $0xffff, v2;
	s15 =	sand.u32 $0x7, s11  }
0x16: {  	[tilespmem:s13+$0x1020 ss:$0x81] =	vst.msk $0xffff, v0;
	s14 =	sadd.s32 s2, s14;
	s11 =	sshrl.u32 s11, $0x3;
	s15 =	sshll.u32 s15, $0x12  }
0x17: {  	[tilespmem:s13+$0x0 ss:$0x81] =	vst.msk $0xffff, v1;
	s11 =	sadd.s32 s11, s14;
	s31 =	sor.u32 $0x400, s15  }
0x18: {  	[hbm4b:s11+s31] =	stream.strided.scatter [tilespmem:s12], [sflag:$0x2], $0x2000, s8, s31, $0x20;
	[tilespmem:$0x8080] =	vst v63  }
.LBB1_5:
0x19: {  	s13 =	sadd.s32 $0x1000, s9  }
0x1a: {  	p2 =	sgt.s32 s13, $0xC7FFF  }
0x1b: {  	s13 =	smov.u32 @p2 s3;
	p2 =	sne.s32 s10, s7  }
.Ltmp1:
0x1c: {  	p1 =	slt.u32 s10, $0x2;
	(pc) =	sbr.rel @!p2 .LBB1_6-.Ltmp1, $4  }
0x1d: {  	s12 =	simm.s32 @!p1 $0x2  }
0x1e: {  	s14 =	sadd.s32 $0x1, s10;
	_ =	swait.ge @!p1 [sflag:s12], $0x2000  }
0x1f: {  	s11 =	smov.u32 s9;
	p0 =	por !p0, !p0;
	[sflag:s12] =	ssyncset.done @!p1 $0x0  }
0x20: {  	s10 =	smov.u32 s14;
	s9 =	smov.u32 s13;
	[sflag:s12] =	ssyncadd.s32 @!p1 $0xFFFFE000  }
.LBB1_1:
0x21: {  	p1 =	sge.u32 s10, s6  }
0x22: {  	s12 =	sand.u32 @!p1 $0x1FFFFFF, s9  }
0x23: {  	s13 =	smulhi.u32 @!p1 $0x147AE15, s12;
	_ =	sdelay $0x1  }
0x24: {  	s13 =	sshrl.u32 @!p1 s13, $0xC  }
0x25: {  	s13 =	smul.u32 @!p1 $0xC8000, s13;
	_ =	sdelay $0x1  }
0x26: {  	s31 =	sadd.s32 $0xFFFFFFFF, s10;
	s14 =	sxor.u32 @!p1 $0xFFFFFFFF, s10;
	s12 =	ssub.s32 @!p1 s12, s13  }
0x27: {  	s15 =	simm.s32 @!p1 $0x80;
	s14 =	sshll.u32 @!p1 s14, $0xD;
	s12 =	sshll.u32 @!p1 s12, $0x4  }
0x28: {  	s13 =	sand.u32 @!p1 $0x2000, s14;
	s14 =	simm.s32 @!p1 $0x40;
	s12 =	sadd.s32 @!p1 s4, s12  }
0x29: {  	[tilespmem:s13], [sflag:$0x1] =	stream.strided.gather @!p1 [hbm4b:s12+s14], $0x2000, s15, s14, $0x38;
	[tilespmem:$0x8080] =	vst v63  }
0x2a: {  	p1 =	sge.u32 s31, s6  }
.Ltmp2:
0x2b: {  	_ = 	snop;
	(pc) =	sbr.rel @p1 .LBB1_5-.Ltmp2, $1  }
0x2c: {  	_ =	sdelay $0x3  }
0x2d: {  	s12 =	simm.s32 $0x1  }
0x2e: {  	_ =	swait.ge [sflag:s5], $0x2000;
	s12 =	simm.s32 @!p0 $0x0  }
0x2f: {  	[sflag:s5] =	ssyncset.done $0x0;
	s13 =	sshll.u32 s12, $0xD  }
0x30: {  	[sflag:s5] =	ssyncadd.s32 $0xFFFFE000;
	s16 =	sor.u32 $0x20, s13  }
0x31: {  	s12 =	smul.u32 $0x8100, s12;
	v3 =	vld [tilespmem:s16+$0x10]  }
0x32: {  	s30 =	sand.u32 $0x1, s10;
	v2 =	vld [tilespmem:s16+$0xFFFFFFF0]  }
0x33: {  	s13 =	smul.u32 $0x8100, s30;
	s12 =	sshrl.u32 s12, $0x2;
	v0 =	vld [tilespmem:s16+$0x0]  }
0x34: {  	v1 =	vld [tilespmem:s16+$0xFFFFFFE0];
	s14 =	sor.u32 $0x4000, s12  }
0x35: {  	s31 =	sshrl.u32 s13, $0x2;
	s13 =	sadd.s32 $0x0, s14  }
0x36: {  	s15 =	simm.s32 $0x4;
	s16 =	sadd.s32 $0x40, s16;
	s12 =	sor.u32 $0x4000, s31;
	[tilespmem:s13+$0x1830 ss:$0x81] =	vst.msk $0xffff, v3  }
.LBB1_3:
0x37: {  	v3 =	vld [tilespmem:s16+$0x10];
	p1 =	sne.s32 s15, $0x1FC;
	[tilespmem:s13+$0x810 ss:$0x81] =	vst.msk $0xffff, v2;
	s17 =	smov.u32 s15;
	s15 =	sadd.s32 $0x4, s15  }
.Ltmp3:
0x38: {  	v2 =	vld [tilespmem:s16+$0xFFFFFFF0];
	[tilespmem:s13+$0x1020 ss:$0x81] =	vst.msk $0xffff, v0;
	(pc) =	sbr.rel @p1 .LBB1_3-.Ltmp3, $4  }
0x39: {  	v0 =	vld [tilespmem:s16+$0x0];
	[tilespmem:s13+$0x0 ss:$0x81] =	vst.msk $0xffff, v1  }
0x3a: {  	s13 =	sshra.s32 s17, $0x2;
	v1 =	vld [tilespmem:s16+$0xFFFFFFE0]  }
0x3b: {  	s13 =	sadd.s32 s13, s14  }
0x3c: {  	s16 =	sadd.s32 $0x40, s16;
	[tilespmem:s13+$0x1830 ss:$0x81] =	vst.msk $0xffff, v3  }
.Ltmp4:
0x3d: {  	_ = 	snop;
	(pc) =	sbr.rel .LBB1_4-.Ltmp4, $1  }
0x3e: {  	_ =	sdelay $0x3  }
.LBB1_6:
0x3f: {  	_ =	sfence.sel $0x180000  }
0x40: {  	s2 =	simm.s32 $0x1;
	[bflag:$0x0] =	sbarrier.arrive $0xFFFF  }
0x41: {  	s31 =	simm.s32 $0x2;
	[sflag:s2] =	ssyncpa.u1 $0x1  }
0x42: {  	[sflag:s31] =	ssyncpa.u1 $0x1  }
0x43: {  	p0 =	sne.s32 s0, $0x0;
	_ =	strace $0x9000004A  }
0x44: {  	s0 =	sadd.s32 @!p0 $0x100000, s1;
	[bflag:$0x2] =	sbarrier.arrive $0xFFFF  }
0x45: {  	[sflag:s0] =	ssyncadd.tile.s32 @!p0 $0x1;
	_ =	shalt  }
.Lfunc_end1:
_tile_overlayer_lowered:
.L_overlay_start_2:
0x46: {  	(tag) =	ssettag $0x2  }
0x47: {  	s0 =	rddreg [dreg:$0x0];
	s2 =	stileid.u32  }
0x48: {  	s1 =	rddreg [dreg:$0x1];
	p0 =	sne.s32 s2, $0x0  }
0x49: {  	s3 =	rddreg [dreg:$0x2];
	[bflag:$0x3] =	sbarrier.arrive $0xFFFF;
	s2 =	simm.s32 @!p0 $0x1C01  }
0x4a: {  	[timem:s3], [sflag:s2] =	dma.local @!p0 [hbm:s0], s1  }
0x4b: {  	s0 =	simm.s32 @!p0 $0x1  }
0x4c: {  	_ =	swait.ge @!p0 [sflag:s0], s1  }
0x4d: {  	s1 =	ssub.s32 @!p0 $0x0, s1;
	[sflag:s0] =	ssyncset.done @!p0 $0x0  }
0x4e: {  	[sflag:s0] =	ssyncadd.s32 @!p0 s1  }
0x4f: {  	[bflag:$0x3] =	sbarrier.arrive $0xFFFF  }
0x50: {  	_ =	shalt  }

</sc_bundles>
